<compile_context>
chip_gen: v7x
topology: tpu7x:2x2x1
jax: 0.10.2.dev20260603
libtpu: 0.0.44.dev20260713+nightly
codegen_flags: <defaults>
</compile_context>

<pallas_src>
import functools

import jax
import jax.numpy as jnp
from jax import lax
from jax.experimental import pallas as pl
from jax.experimental.pallas import tpu as pltpu
from jax.experimental.pallas import tpu_sc as plsc

B = 16384
D = 32
H = 64
SLOT = 128
PACK = SLOT // D
NC, NS = 2, 16
NW = NC * NS
B_PER_W = B // NW
CHUNK = 128
NCHUNK = B_PER_W // CHUNK
NBUF = 3


def _sc_gather_slots(ids2d, tab4):
    mesh = plsc.VectorSubcoreMesh(core_axis_name="c", subcore_axis_name="s")

    @functools.partial(
        pl.kernel,
        mesh=mesh,
        out_type=jax.ShapeDtypeStruct((B, SLOT), jnp.float32),
        scratch_types=[
            pltpu.VMEM((NCHUNK, CHUNK), jnp.int32),
            [pltpu.VMEM((CHUNK, SLOT), jnp.float32) for _ in range(NBUF)],
            pltpu.SemaphoreType.DMA,
            pltpu.SemaphoreType.DMA,
        ],
    )
    def gather_kernel(ids, tab, out, idx, bufs, gsem, wsem):
        wid = lax.axis_index("s") * NC + lax.axis_index("c")
        base = wid * B_PER_W
        row0 = wid * NCHUNK
        pltpu.sync_copy(ids.at[pl.ds(row0, NCHUNK)], idx)

        def gather(j):
            return pltpu.async_copy(tab.at[idx.at[j]], bufs[j % NBUF], gsem)

        def writeback(j):
            dst = pl.ds(base + j * CHUNK, CHUNK)
            return pltpu.async_copy(bufs[j % NBUF], out.at[dst], wsem)

        gathers = [gather(j) for j in range(NBUF)]
        writes = []
        for j in range(NCHUNK):
            gathers[j].wait()
            writes.append(writeback(j))
            nxt = j + NBUF
            if nxt < NCHUNK:
                writes[nxt - NBUF].wait()
                gathers.append(gather(nxt))
        for j in range(max(0, NCHUNK - NBUF + 1), NCHUNK):
            writes[j].wait()

    return gather_kernel(ids2d, tab4)


TCH = 32768


def _slotize_body(t_ref, o_ref):
    for s in range(TCH // 512):
        stacked = jnp.concatenate(
            [t_ref[:, 512 * s + 128 * j:512 * s + 128 * (j + 1)]
             for j in range(PACK)], axis=0)
        o_ref[128 * s:128 * (s + 1), :] = stacked.T


def _tc_slotize(tab_t, nrows):
    grid = (nrows + TCH - 1) // TCH
    return pl.pallas_call(
        _slotize_body,
        grid=(grid,),
        in_specs=[pl.BlockSpec((D, TCH), lambda i: (0, i))],
        out_specs=pl.BlockSpec((TCH // PACK, SLOT), lambda i: (i, 0)),
        out_shape=jax.ShapeDtypeStruct((grid * (TCH // PACK), SLOT), jnp.float32),
    )(tab_t)


BLK = 2048


def _mlp_body(us_ref, is_ref, ids_ref,
              w1u_ref, w1i_ref, b1_ref, w2_ref, b2_ref, o_ref):
    lane_grp = jax.lax.broadcasted_iota(jnp.int32, (BLK, SLOT), 1) // D
    ug = (ids_ref[:, 0:1] // 128) % PACK
    ig = (ids_ref[:, 1:2] // 128) % PACK
    u = jnp.where(lane_grp == ug, us_ref[...], 0.0)
    i = jnp.where(lane_grp == ig, is_ref[...], 0.0)
    h = (jnp.dot(u, w1u_ref[...], preferred_element_type=jnp.float32)
         + jnp.dot(i, w1i_ref[...], preferred_element_type=jnp.float32)
         + b1_ref[...])
    h = jnp.maximum(h, 0.0)
    z = jax.lax.dot_general(w2_ref[...], h, (((1,), (1,)), ((), ())),
                            preferred_element_type=jnp.float32)
    o_ref[...] = jax.nn.sigmoid(z + b2_ref[...])


def _tc_mlp(uslots, islots, ids2, w1u4, w1i4, b1_2d, w2_2d, b2_2d):
    return pl.pallas_call(
        _mlp_body,
        grid=(B // BLK,),
        in_specs=[
            pl.BlockSpec((BLK, SLOT), lambda i: (i, 0)),
            pl.BlockSpec((BLK, SLOT), lambda i: (i, 0)),
            pl.BlockSpec((BLK, 2), lambda i: (i, 0)),
            pl.BlockSpec((SLOT, H), lambda i: (0, 0)),
            pl.BlockSpec((SLOT, H), lambda i: (0, 0)),
            pl.BlockSpec((1, H), lambda i: (0, 0)),
            pl.BlockSpec((1, H), lambda i: (0, 0)),
            pl.BlockSpec((1, 1), lambda i: (0, 0)),
        ],
        out_specs=pl.BlockSpec((1, BLK), lambda i: (0, i)),
        out_shape=jax.ShapeDtypeStruct((1, B), jnp.float32),
    )(uslots, islots, ids2, w1u4, w1i4, b1_2d, w2_2d, b2_2d)


def kernel(user_ids, item_ids, user_table, item_table, W1, b1, W2, b2):
    uids = user_ids.astype(jnp.int32)
    iids = item_ids.astype(jnp.int32)
    utab4 = _tc_slotize(user_table.T, user_table.shape[0])
    itab4 = _tc_slotize(item_table.T, item_table.shape[0])
    uids2d = ((uids // 512) * 128 + uids % 128).reshape(B // CHUNK, CHUNK)
    iids2d = ((iids // 512) * 128 + iids % 128).reshape(B // CHUNK, CHUNK)
    ids2 = jnp.concatenate([uids.reshape(B, 1), iids.reshape(B, 1)], axis=1)
    uslots = _sc_gather_slots(uids2d, utab4)
    islots = _sc_gather_slots(iids2d, itab4)
    w1u4 = jnp.tile(W1[:, :D].T, (PACK, 1))
    w1i4 = jnp.tile(W1[:, D:].T, (PACK, 1))
    b1_2d = b1.reshape(1, H)
    w2_2d = W2.reshape(1, H)
    b2_2d = b2.reshape(1, 1)
    out = _tc_mlp(uslots, islots, ids2, w1u4, w1i4, b1_2d, w2_2d, b2_2d)
    return out.T

# --- scband reference (transcript-rebuilt; emitter-appended) ---
"""Pipeline reference for scband-ncf-13778255086224 (READ-ONLY COPY).

The authoritative reference and input builder live on the scoring server;
editing this copy changes nothing except your own understanding.
"""

import jax, jax.numpy as jnp
import numpy as np

NUM_USERS = 1000000
NUM_ITEMS = 1000000
EMBED_DIM = 32
BATCH = 16384


def setup_inputs(seed: int = 0) -> dict:
    key = jax.random.key(seed)
    k1, k2, k3, k4, k5, k6, k7, k8 = jax.random.split(key, 8)
    user_ids = jax.random.randint(k1, (BATCH,), 0, NUM_USERS, dtype=jnp.int64 if jax.config.jax_enable_x64 else jnp.int32)
    item_ids = jax.random.randint(k2, (BATCH,), 0, NUM_ITEMS, dtype=jnp.int64 if jax.config.jax_enable_x64 else jnp.int32)
    user_table = jax.random.normal(k3, (NUM_USERS, EMBED_DIM), dtype=jnp.float32)
    item_table = jax.random.normal(k4, (NUM_ITEMS, EMBED_DIM), dtype=jnp.float32)
    # fc: Linear(64 -> 64), ReLU, Linear(64 -> 1), Sigmoid
    W1 = jax.random.normal(k5, (64, EMBED_DIM * 2), dtype=jnp.float32) * (1.0 / np.sqrt(EMBED_DIM * 2))
    b1 = jax.random.normal(k6, (64,), dtype=jnp.float32) * 0.01
    W2 = jax.random.normal(k7, (1, 64), dtype=jnp.float32) * (1.0 / np.sqrt(64))
    b2 = jax.random.normal(k8, (1,), dtype=jnp.float32) * 0.01
    return {"user_ids": user_ids, "item_ids": item_ids, "user_table": user_table,
            "item_table": item_table, "W1": W1, "b1": b1, "W2": W2, "b2": b2}


def reference(user_ids, item_ids, user_table, item_table, W1, b1, W2, b2):
    user_vec = jnp.take(user_table, user_ids, axis=0)   # [B, 32]
    item_vec = jnp.take(item_table, item_ids, axis=0)   # [B, 32]
    x = jnp.concatenate([user_vec, item_vec], axis=1)   # [B, 64]
    h = jnp.maximum(x @ W1.T + b1, 0.0)                 # [B, 64]
    out = jax.nn.sigmoid(h @ W2.T + b2)                 # [B, 1]
    return out

if __name__ == "__main__":
    import jax
    _d = setup_inputs()
    print(jax.jit(kernel)(*tuple(_d.values())))

</pallas_src>

<mosaic_0001>
#map = affine_map<(d0, d1) -> (0, 0)>
module attributes {stable_mosaic.version = 14 : i64} {
  func.func @gather_kernel(%arg0: i32, %arg1: i32, %arg2: memref<128x128xi32, #tpu.memory_space<hbm>>, %arg3: memref<253952x128xf32, #tpu.memory_space<hbm>>, %arg4: memref<16384x128xf32, #tpu.memory_space<hbm>>, %arg5: memref<4x128xi32, #tpu.memory_space<vmem>>, %arg6: memref<128x128xf32, #tpu.memory_space<vmem>>, %arg7: memref<128x128xf32, #tpu.memory_space<vmem>>, %arg8: memref<128x128xf32, #tpu.memory_space<vmem>>, %arg9: memref<!tpu.dma_semaphore, #tpu.memory_space<semaphore_mem>>, %arg10: memref<!tpu.dma_semaphore, #tpu.memory_space<semaphore_mem>>) attributes {dimension_semantics = [#tpu.dimension_semantics<core_parallel>, #tpu.dimension_semantics<subcore_parallel>], iteration_bounds = array<i64: 2, 16>, scalar_prefetch = 0 : i64, scratch_operands = 6 : i64, tpu.core_type = #tpu.core_type<sc_vector_subcore>, window_params = [{transform_indices = #map}, {transform_indices = #map}, {transform_indices = #map}]} {
    %mul3A = arith.constant 2 : i32
    %mul3A_0 = arith.muli %arg1, %mul3A : i32
    %add3A = arith.addi %mul3A_0, %arg0 : i32
    %mul3A_1 = arith.constant 512 : i32
    %mul3A_2 = arith.muli %add3A, %mul3A_1 : i32
    %mul3A_3 = arith.constant 4 : i32
    %mul3A_4 = arith.muli %add3A, %mul3A_3 : i32
    "tpu.region"() ({
      %run_scoped3A = tpu.sem_alloc : memref<!tpu.dma_semaphore, #tpu.memory_space<semaphore_mem>>
      %dma_start3A_95 = arith.constant 0 : i32
      %dma_start3A_96 = tpu.memref_slice %arg2[%mul3A_4, %dma_start3A_95] : memref<128x128xi32, #tpu.memory_space<hbm>> -> memref<4x128xi32, #tpu.memory_space<hbm>>
      %dma_start3A_97 = arith.constant 0 : i32
      %dma_start3A_98 = tpu.memref_slice %arg2[%mul3A_4, %dma_start3A_97] : memref<128x128xi32, #tpu.memory_space<hbm>> -> memref<4x128xi32, #tpu.memory_space<hbm>>
      tpu.enqueue_dma source(%dma_start3A_98 : memref<4x128xi32, #tpu.memory_space<hbm>>) target(%arg5 : memref<4x128xi32, #tpu.memory_space<vmem>>) target_semaphore(%run_scoped3A : memref<!tpu.dma_semaphore, #tpu.memory_space<semaphore_mem>>)
      %dma_wait3A_99 = arith.constant 0 : i32
      %dma_wait3A_100 = tpu.memref_slice %arg2[%mul3A_4, %dma_wait3A_99] : memref<128x128xi32, #tpu.memory_space<hbm>> -> memref<4x128xi32, #tpu.memory_space<hbm>>
      %dma_wait3A_101 = arith.constant 0 : i32
      %dma_wait3A_102 = tpu.memref_slice %arg2[%mul3A_4, %dma_wait3A_101] : memref<128x128xi32, #tpu.memory_space<hbm>> -> memref<4x128xi32, #tpu.memory_space<hbm>>
      tpu.wait_dma2 semaphore(%run_scoped3A : memref<!tpu.dma_semaphore, #tpu.memory_space<semaphore_mem>>) src(%dma_wait3A_102 : memref<4x128xi32, #tpu.memory_space<hbm>>) dst(%arg5 : memref<4x128xi32, #tpu.memory_space<vmem>>)
      tpu.yield
    }) : () -> ()
    %dma_start3A = arith.constant 0 : i32
    %dma_start3A_5 = arith.constant 0 : i32
    %dma_start3A_6 = tpu.memref_slice %arg5[%dma_start3A, %dma_start3A_5] : memref<4x128xi32, #tpu.memory_space<vmem>> -> memref<1x128xi32, #tpu.memory_space<vmem>>
    %dma_start3A_7 = tpu.memref_squeeze %dma_start3A_6 : memref<1x128xi32, #tpu.memory_space<vmem>> -> memref<128xi32, #tpu.memory_space<vmem>>
    %dma_start3A_8 = arith.constant 0 : i32
    %dma_start3A_9 = arith.constant 0 : i32
    %dma_start3A_10 = tpu.memref_slice %arg3[%dma_start3A_8, %dma_start3A_9] : memref<253952x128xf32, #tpu.memory_space<hbm>> -> memref<253952x128xf32, #tpu.memory_space<hbm>>
    tpu.enqueue_indirect_dma source(%dma_start3A_10 : memref<253952x128xf32, #tpu.memory_space<hbm>>) target(%arg6 : memref<128x128xf32, #tpu.memory_space<vmem>>) offsets(%dma_start3A_7 : memref<128xi32, #tpu.memory_space<vmem>>) semaphore(%arg9 : memref<!tpu.dma_semaphore, #tpu.memory_space<semaphore_mem>>)
    %dma_start3A_11 = arith.constant 1 : i32
    %dma_start3A_12 = arith.constant 0 : i32
    %dma_start3A_13 = tpu.memref_slice %arg5[%dma_start3A_11, %dma_start3A_12] : memref<4x128xi32, #tpu.memory_space<vmem>> -> memref<1x128xi32, #tpu.memory_space<vmem>>
    %dma_start3A_14 = tpu.memref_squeeze %dma_start3A_13 : memref<1x128xi32, #tpu.memory_space<vmem>> -> memref<128xi32, #tpu.memory_space<vmem>>
    %dma_start3A_15 = arith.constant 0 : i32
    %dma_start3A_16 = arith.constant 0 : i32
    %dma_start3A_17 = tpu.memref_slice %arg3[%dma_start3A_15, %dma_start3A_16] : memref<253952x128xf32, #tpu.memory_space<hbm>> -> memref<253952x128xf32, #tpu.memory_space<hbm>>
    tpu.enqueue_indirect_dma source(%dma_start3A_17 : memref<253952x128xf32, #tpu.memory_space<hbm>>) target(%arg7 : memref<128x128xf32, #tpu.memory_space<vmem>>) offsets(%dma_start3A_14 : memref<128xi32, #tpu.memory_space<vmem>>) semaphore(%arg9 : memref<!tpu.dma_semaphore, #tpu.memory_space<semaphore_mem>>)
    %dma_start3A_18 = arith.constant 2 : i32
    %dma_start3A_19 = arith.constant 0 : i32
    %dma_start3A_20 = tpu.memref_slice %arg5[%dma_start3A_18, %dma_start3A_19] : memref<4x128xi32, #tpu.memory_space<vmem>> -> memref<1x128xi32, #tpu.memory_space<vmem>>
    %dma_start3A_21 = tpu.memref_squeeze %dma_start3A_20 : memref<1x128xi32, #tpu.memory_space<vmem>> -> memref<128xi32, #tpu.memory_space<vmem>>
    %dma_start3A_22 = arith.constant 0 : i32
    %dma_start3A_23 = arith.constant 0 : i32
    %dma_start3A_24 = tpu.memref_slice %arg3[%dma_start3A_22, %dma_start3A_23] : memref<253952x128xf32, #tpu.memory_space<hbm>> -> memref<253952x128xf32, #tpu.memory_space<hbm>>
    tpu.enqueue_indirect_dma source(%dma_start3A_24 : memref<253952x128xf32, #tpu.memory_space<hbm>>) target(%arg8 : memref<128x128xf32, #tpu.memory_space<vmem>>) offsets(%dma_start3A_21 : memref<128xi32, #tpu.memory_space<vmem>>) semaphore(%arg9 : memref<!tpu.dma_semaphore, #tpu.memory_space<semaphore_mem>>)
    %dma_wait3A = arith.constant 0 : i32
    %dma_wait3A_25 = arith.constant 0 : i32
    %dma_wait3A_26 = tpu.memref_slice %arg5[%dma_wait3A, %dma_wait3A_25] : memref<4x128xi32, #tpu.memory_space<vmem>> -> memref<1x128xi32, #tpu.memory_space<vmem>>
    %dma_wait3A_27 = tpu.memref_squeeze %dma_wait3A_26 : memref<1x128xi32, #tpu.memory_space<vmem>> -> memref<128xi32, #tpu.memory_space<vmem>>
    %dma_wait3A_28 = arith.constant 0 : i32
    %dma_wait3A_29 = arith.constant 0 : i32
    %dma_wait3A_30 = tpu.memref_slice %arg3[%dma_wait3A_28, %dma_wait3A_29] : memref<253952x128xf32, #tpu.memory_space<hbm>> -> memref<253952x128xf32, #tpu.memory_space<hbm>>
    tpu.wait_indirect_dma semaphore(%arg9 : memref<!tpu.dma_semaphore, #tpu.memory_space<semaphore_mem>>) src(%dma_wait3A_30 : memref<253952x128xf32, #tpu.memory_space<hbm>>) dst(%arg6 : memref<128x128xf32, #tpu.memory_space<vmem>>)
    %add3A_31 = arith.constant 0 : i32
    %add3A_32 = arith.addi %mul3A_2, %add3A_31 : i32
    %dma_start3A_33 = arith.constant 0 : i32
    %dma_start3A_34 = tpu.memref_slice %arg4[%add3A_32, %dma_start3A_33] : memref<16384x128xf32, #tpu.memory_space<hbm>> -> memref<128x128xf32, #tpu.memory_space<hbm>>
    %dma_start3A_35 = arith.constant 0 : i32
    %dma_start3A_36 = tpu.memref_slice %arg4[%add3A_32, %dma_start3A_35] : memref<16384x128xf32, #tpu.memory_space<hbm>> -> memref<128x128xf32, #tpu.memory_space<hbm>>
    tpu.enqueue_dma source(%arg6 : memref<128x128xf32, #tpu.memory_space<vmem>>) target(%dma_start3A_36 : memref<128x128xf32, #tpu.memory_space<hbm>>) target_semaphore(%arg10 : memref<!tpu.dma_semaphore, #tpu.memory_space<semaphore_mem>>)
    %dma_wait3A_37 = arith.constant 0 : i32
    %dma_wait3A_38 = tpu.memref_slice %arg4[%add3A_32, %dma_wait3A_37] : memref<16384x128xf32, #tpu.memory_space<hbm>> -> memref<128x128xf32, #tpu.memory_space<hbm>>
    %dma_wait3A_39 = arith.constant 0 : i32
    %dma_wait3A_40 = tpu.memref_slice %arg4[%add3A_32, %dma_wait3A_39] : memref<16384x128xf32, #tpu.memory_space<hbm>> -> memref<128x128xf32, #tpu.memory_space<hbm>>
    tpu.wait_dma2 semaphore(%arg10 : memref<!tpu.dma_semaphore, #tpu.memory_space<semaphore_mem>>) src(%arg6 : memref<128x128xf32, #tpu.memory_space<vmem>>) dst(%dma_wait3A_40 : memref<128x128xf32, #tpu.memory_space<hbm>>)
    %dma_start3A_41 = arith.constant 3 : i32
    %dma_start3A_42 = arith.constant 0 : i32
    %dma_start3A_43 = tpu.memref_slice %arg5[%dma_start3A_41, %dma_start3A_42] : memref<4x128xi32, #tpu.memory_space<vmem>> -> memref<1x128xi32, #tpu.memory_space<vmem>>
    %dma_start3A_44 = tpu.memref_squeeze %dma_start3A_43 : memref<1x128xi32, #tpu.memory_space<vmem>> -> memref<128xi32, #tpu.memory_space<vmem>>
    %dma_start3A_45 = arith.constant 0 : i32
    %dma_start3A_46 = arith.constant 0 : i32
    %dma_start3A_47 = tpu.memref_slice %arg3[%dma_start3A_45, %dma_start3A_46] : memref<253952x128xf32, #tpu.memory_space<hbm>> -> memref<253952x128xf32, #tpu.memory_space<hbm>>
    tpu.enqueue_indirect_dma source(%dma_start3A_47 : memref<253952x128xf32, #tpu.memory_space<hbm>>) target(%arg6 : memref<128x128xf32, #tpu.memory_space<vmem>>) offsets(%dma_start3A_44 : memref<128xi32, #tpu.memory_space<vmem>>) semaphore(%arg9 : memref<!tpu.dma_semaphore, #tpu.memory_space<semaphore_mem>>)
    %dma_wait3A_48 = arith.constant 1 : i32
    %dma_wait3A_49 = arith.constant 0 : i32
    %dma_wait3A_50 = tpu.memref_slice %arg5[%dma_wait3A_48, %dma_wait3A_49] : memref<4x128xi32, #tpu.memory_space<vmem>> -> memref<1x128xi32, #tpu.memory_space<vmem>>
    %dma_wait3A_51 = tpu.memref_squeeze %dma_wait3A_50 : memref<1x128xi32, #tpu.memory_space<vmem>> -> memref<128xi32, #tpu.memory_space<vmem>>
    %dma_wait3A_52 = arith.constant 0 : i32
    %dma_wait3A_53 = arith.constant 0 : i32
    %dma_wait3A_54 = tpu.memref_slice %arg3[%dma_wait3A_52, %dma_wait3A_53] : memref<253952x128xf32, #tpu.memory_space<hbm>> -> memref<253952x128xf32, #tpu.memory_space<hbm>>
    tpu.wait_indirect_dma semaphore(%arg9 : memref<!tpu.dma_semaphore, #tpu.memory_space<semaphore_mem>>) src(%dma_wait3A_54 : memref<253952x128xf32, #tpu.memory_space<hbm>>) dst(%arg7 : memref<128x128xf32, #tpu.memory_space<vmem>>)
    %add3A_55 = arith.constant 128 : i32
    %add3A_56 = arith.addi %mul3A_2, %add3A_55 : i32
    %dma_start3A_57 = arith.constant 0 : i32
    %dma_start3A_58 = tpu.memref_slice %arg4[%add3A_56, %dma_start3A_57] : memref<16384x128xf32, #tpu.memory_space<hbm>> -> memref<128x128xf32, #tpu.memory_space<hbm>>
    %dma_start3A_59 = arith.constant 0 : i32
    %dma_start3A_60 = tpu.memref_slice %arg4[%add3A_56, %dma_start3A_59] : memref<16384x128xf32, #tpu.memory_space<hbm>> -> memref<128x128xf32, #tpu.memory_space<hbm>>
    tpu.enqueue_dma source(%arg7 : memref<128x128xf32, #tpu.memory_space<vmem>>) target(%dma_start3A_60 : memref<128x128xf32, #tpu.memory_space<hbm>>) target_semaphore(%arg10 : memref<!tpu.dma_semaphore, #tpu.memory_space<semaphore_mem>>)
    %dma_wait3A_61 = arith.constant 2 : i32
    %dma_wait3A_62 = arith.constant 0 : i32
    %dma_wait3A_63 = tpu.memref_slice %arg5[%dma_wait3A_61, %dma_wait3A_62] : memref<4x128xi32, #tpu.memory_space<vmem>> -> memref<1x128xi32, #tpu.memory_space<vmem>>
    %dma_wait3A_64 = tpu.memref_squeeze %dma_wait3A_63 : memref<1x128xi32, #tpu.memory_space<vmem>> -> memref<128xi32, #tpu.memory_space<vmem>>
    %dma_wait3A_65 = arith.constant 0 : i32
    %dma_wait3A_66 = arith.constant 0 : i32
    %dma_wait3A_67 = tpu.memref_slice %arg3[%dma_wait3A_65, %dma_wait3A_66] : memref<253952x128xf32, #tpu.memory_space<hbm>> -> memref<253952x128xf32, #tpu.memory_space<hbm>>
    tpu.wait_indirect_dma semaphore(%arg9 : memref<!tpu.dma_semaphore, #tpu.memory_space<semaphore_mem>>) src(%dma_wait3A_67 : memref<253952x128xf32, #tpu.memory_space<hbm>>) dst(%arg8 : memref<128x128xf32, #tpu.memory_space<vmem>>)
    %add3A_68 = arith.constant 256 : i32
    %add3A_69 = arith.addi %mul3A_2, %add3A_68 : i32
    %dma_start3A_70 = arith.constant 0 : i32
    %dma_start3A_71 = tpu.memref_slice %arg4[%add3A_69, %dma_start3A_70] : memref<16384x128xf32, #tpu.memory_space<hbm>> -> memref<128x128xf32, #tpu.memory_space<hbm>>
    %dma_start3A_72 = arith.constant 0 : i32
    %dma_start3A_73 = tpu.memref_slice %arg4[%add3A_69, %dma_start3A_72] : memref<16384x128xf32, #tpu.memory_space<hbm>> -> memref<128x128xf32, #tpu.memory_space<hbm>>
    tpu.enqueue_dma source(%arg8 : memref<128x128xf32, #tpu.memory_space<vmem>>) target(%dma_start3A_73 : memref<128x128xf32, #tpu.memory_space<hbm>>) target_semaphore(%arg10 : memref<!tpu.dma_semaphore, #tpu.memory_space<semaphore_mem>>)
    %dma_wait3A_74 = arith.constant 3 : i32
    %dma_wait3A_75 = arith.constant 0 : i32
    %dma_wait3A_76 = tpu.memref_slice %arg5[%dma_wait3A_74, %dma_wait3A_75] : memref<4x128xi32, #tpu.memory_space<vmem>> -> memref<1x128xi32, #tpu.memory_space<vmem>>
    %dma_wait3A_77 = tpu.memref_squeeze %dma_wait3A_76 : memref<1x128xi32, #tpu.memory_space<vmem>> -> memref<128xi32, #tpu.memory_space<vmem>>
    %dma_wait3A_78 = arith.constant 0 : i32
    %dma_wait3A_79 = arith.constant 0 : i32
    %dma_wait3A_80 = tpu.memref_slice %arg3[%dma_wait3A_78, %dma_wait3A_79] : memref<253952x128xf32, #tpu.memory_space<hbm>> -> memref<253952x128xf32, #tpu.memory_space<hbm>>
    tpu.wait_indirect_dma semaphore(%arg9 : memref<!tpu.dma_semaphore, #tpu.memory_space<semaphore_mem>>) src(%dma_wait3A_80 : memref<253952x128xf32, #tpu.memory_space<hbm>>) dst(%arg6 : memref<128x128xf32, #tpu.memory_space<vmem>>)
    %add3A_81 = arith.constant 384 : i32
    %add3A_82 = arith.addi %mul3A_2, %add3A_81 : i32
    %dma_start3A_83 = arith.constant 0 : i32
    %dma_start3A_84 = tpu.memref_slice %arg4[%add3A_82, %dma_start3A_83] : memref<16384x128xf32, #tpu.memory_space<hbm>> -> memref<128x128xf32, #tpu.memory_space<hbm>>
    %dma_start3A_85 = arith.constant 0 : i32
    %dma_start3A_86 = tpu.memref_slice %arg4[%add3A_82, %dma_start3A_85] : memref<16384x128xf32, #tpu.memory_space<hbm>> -> memref<128x128xf32, #tpu.memory_space<hbm>>
    tpu.enqueue_dma source(%arg6 : memref<128x128xf32, #tpu.memory_space<vmem>>) target(%dma_start3A_86 : memref<128x128xf32, #tpu.memory_space<hbm>>) target_semaphore(%arg10 : memref<!tpu.dma_semaphore, #tpu.memory_space<semaphore_mem>>)
    %dma_wait3A_87 = arith.constant 0 : i32
    %dma_wait3A_88 = tpu.memref_slice %arg4[%add3A_69, %dma_wait3A_87] : memref<16384x128xf32, #tpu.memory_space<hbm>> -> memref<128x128xf32, #tpu.memory_space<hbm>>
    %dma_wait3A_89 = arith.constant 0 : i32
    %dma_wait3A_90 = tpu.memref_slice %arg4[%add3A_69, %dma_wait3A_89] : memref<16384x128xf32, #tpu.memory_space<hbm>> -> memref<128x128xf32, #tpu.memory_space<hbm>>
    tpu.wait_dma2 semaphore(%arg10 : memref<!tpu.dma_semaphore, #tpu.memory_space<semaphore_mem>>) src(%arg8 : memref<128x128xf32, #tpu.memory_space<vmem>>) dst(%dma_wait3A_90 : memref<128x128xf32, #tpu.memory_space<hbm>>)
    %dma_wait3A_91 = arith.constant 0 : i32
    %dma_wait3A_92 = tpu.memref_slice %arg4[%add3A_82, %dma_wait3A_91] : memref<16384x128xf32, #tpu.memory_space<hbm>> -> memref<128x128xf32, #tpu.memory_space<hbm>>
    %dma_wait3A_93 = arith.constant 0 : i32
    %dma_wait3A_94 = tpu.memref_slice %arg4[%add3A_82, %dma_wait3A_93] : memref<16384x128xf32, #tpu.memory_space<hbm>> -> memref<128x128xf32, #tpu.memory_space<hbm>>
    tpu.wait_dma2 semaphore(%arg10 : memref<!tpu.dma_semaphore, #tpu.memory_space<semaphore_mem>>) src(%arg6 : memref<128x128xf32, #tpu.memory_space<vmem>>) dst(%dma_wait3A_94 : memref<128x128xf32, #tpu.memory_space<hbm>>)
    return
  }
}

#map = affine_map<(d0, d1) -> (0, 0)>
module attributes {stable_mosaic.version = 14 : i64} {
  func.func @gather_kernel(%arg0: i32, %arg1: i32, %arg2: memref<128x128xi32, #tpu.memory_space<hbm>>, %arg3: memref<253952x128xf32, #tpu.memory_space<hbm>>, %arg4: memref<16384x128xf32, #tpu.memory_space<hbm>>, %arg5: memref<4x128xi32, #tpu.memory_space<vmem>>, %arg6: memref<128x128xf32, #tpu.memory_space<vmem>>, %arg7: memref<128x128xf32, #tpu.memory_space<vmem>>, %arg8: memref<128x128xf32, #tpu.memory_space<vmem>>, %arg9: memref<!tpu.dma_semaphore, #tpu.memory_space<semaphore_mem>>, %arg10: memref<!tpu.dma_semaphore, #tpu.memory_space<semaphore_mem>>) attributes {dimension_semantics = [#tpu.dimension_semantics<core_parallel>, #tpu.dimension_semantics<subcore_parallel>], iteration_bounds = array<i64: 2, 16>, scalar_prefetch = 0 : i64, scratch_operands = 6 : i64, tpu.core_type = #tpu.core_type<sc_vector_subcore>, window_params = [{transform_indices = #map}, {transform_indices = #map}, {transform_indices = #map}]} {
    %mul3A = arith.constant 2 : i32
    %mul3A_0 = arith.muli %arg1, %mul3A : i32
    %add3A = arith.addi %mul3A_0, %arg0 : i32
    %mul3A_1 = arith.constant 512 : i32
    %mul3A_2 = arith.muli %add3A, %mul3A_1 : i32
    %mul3A_3 = arith.constant 4 : i32
    %mul3A_4 = arith.muli %add3A, %mul3A_3 : i32
    "tpu.region"() ({
      %run_scoped3A = tpu.sem_alloc : memref<!tpu.dma_semaphore, #tpu.memory_space<semaphore_mem>>
      %dma_start3A_95 = arith.constant 0 : i32
      %dma_start3A_96 = tpu.memref_slice %arg2[%mul3A_4, %dma_start3A_95] : memref<128x128xi32, #tpu.memory_space<hbm>> -> memref<4x128xi32, #tpu.memory_space<hbm>>
      %dma_start3A_97 = arith.constant 0 : i32
      %dma_start3A_98 = tpu.memref_slice %arg2[%mul3A_4, %dma_start3A_97] : memref<128x128xi32, #tpu.memory_space<hbm>> -> memref<4x128xi32, #tpu.memory_space<hbm>>
      tpu.enqueue_dma source(%dma_start3A_98 : memref<4x128xi32, #tpu.memory_space<hbm>>) target(%arg5 : memref<4x128xi32, #tpu.memory_space<vmem>>) target_semaphore(%run_scoped3A : memref<!tpu.dma_semaphore, #tpu.memory_space<semaphore_mem>>)
      %dma_wait3A_99 = arith.constant 0 : i32
      %dma_wait3A_100 = tpu.memref_slice %arg2[%mul3A_4, %dma_wait3A_99] : memref<128x128xi32, #tpu.memory_space<hbm>> -> memref<4x128xi32, #tpu.memory_space<hbm>>
      %dma_wait3A_101 = arith.constant 0 : i32
      %dma_wait3A_102 = tpu.memref_slice %arg2[%mul3A_4, %dma_wait3A_101] : memref<128x128xi32, #tpu.memory_space<hbm>> -> memref<4x128xi32, #tpu.memory_space<hbm>>
      tpu.wait_dma2 semaphore(%run_scoped3A : memref<!tpu.dma_semaphore, #tpu.memory_space<semaphore_mem>>) src(%dma_wait3A_102 : memref<4x128xi32, #tpu.memory_space<hbm>>) dst(%arg5 : memref<4x128xi32, #tpu.memory_space<vmem>>)
      tpu.yield
    }) : () -> ()
    %dma_start3A = arith.constant 0 : i32
    %dma_start3A_5 = arith.constant 0 : i32
    %dma_start3A_6 = tpu.memref_slice %arg5[%dma_start3A, %dma_start3A_5] : memref<4x128xi32, #tpu.memory_space<vmem>> -> memref<1x128xi32, #tpu.memory_space<vmem>>
    %dma_start3A_7 = tpu.memref_squeeze %dma_start3A_6 : memref<1x128xi32, #tpu.memory_space<vmem>> -> memref<128xi32, #tpu.memory_space<vmem>>
    %dma_start3A_8 = arith.constant 0 : i32
    %dma_start3A_9 = arith.constant 0 : i32
    %dma_start3A_10 = tpu.memref_slice %arg3[%dma_start3A_8, %dma_start3A_9] : memref<253952x128xf32, #tpu.memory_space<hbm>> -> memref<253952x128xf32, #tpu.memory_space<hbm>>
    tpu.enqueue_indirect_dma source(%dma_start3A_10 : memref<253952x128xf32, #tpu.memory_space<hbm>>) target(%arg6 : memref<128x128xf32, #tpu.memory_space<vmem>>) offsets(%dma_start3A_7 : memref<128xi32, #tpu.memory_space<vmem>>) semaphore(%arg9 : memref<!tpu.dma_semaphore, #tpu.memory_space<semaphore_mem>>)
    %dma_start3A_11 = arith.constant 1 : i32
    %dma_start3A_12 = arith.constant 0 : i32
    %dma_start3A_13 = tpu.memref_slice %arg5[%dma_start3A_11, %dma_start3A_12] : memref<4x128xi32, #tpu.memory_space<vmem>> -> memref<1x128xi32, #tpu.memory_space<vmem>>
    %dma_start3A_14 = tpu.memref_squeeze %dma_start3A_13 : memref<1x128xi32, #tpu.memory_space<vmem>> -> memref<128xi32, #tpu.memory_space<vmem>>
    %dma_start3A_15 = arith.constant 0 : i32
    %dma_start3A_16 = arith.constant 0 : i32
    %dma_start3A_17 = tpu.memref_slice %arg3[%dma_start3A_15, %dma_start3A_16] : memref<253952x128xf32, #tpu.memory_space<hbm>> -> memref<253952x128xf32, #tpu.memory_space<hbm>>
    tpu.enqueue_indirect_dma source(%dma_start3A_17 : memref<253952x128xf32, #tpu.memory_space<hbm>>) target(%arg7 : memref<128x128xf32, #tpu.memory_space<vmem>>) offsets(%dma_start3A_14 : memref<128xi32, #tpu.memory_space<vmem>>) semaphore(%arg9 : memref<!tpu.dma_semaphore, #tpu.memory_space<semaphore_mem>>)
    %dma_start3A_18 = arith.constant 2 : i32
    %dma_start3A_19 = arith.constant 0 : i32
    %dma_start3A_20 = tpu.memref_slice %arg5[%dma_start3A_18, %dma_start3A_19] : memref<4x128xi32, #tpu.memory_space<vmem>> -> memref<1x128xi32, #tpu.memory_space<vmem>>
    %dma_start3A_21 = tpu.memref_squeeze %dma_start3A_20 : memref<1x128xi32, #tpu.memory_space<vmem>> -> memref<128xi32, #tpu.memory_space<vmem>>
    %dma_start3A_22 = arith.constant 0 : i32
    %dma_start3A_23 = arith.constant 0 : i32
    %dma_start3A_24 = tpu.memref_slice %arg3[%dma_start3A_22, %dma_start3A_23] : memref<253952x128xf32, #tpu.memory_space<hbm>> -> memref<253952x128xf32, #tpu.memory_space<hbm>>
    tpu.enqueue_indirect_dma source(%dma_start3A_24 : memref<253952x128xf32, #tpu.memory_space<hbm>>) target(%arg8 : memref<128x128xf32, #tpu.memory_space<vmem>>) offsets(%dma_start3A_21 : memref<128xi32, #tpu.memory_space<vmem>>) semaphore(%arg9 : memref<!tpu.dma_semaphore, #tpu.memory_space<semaphore_mem>>)
    %dma_wait3A = arith.constant 0 : i32
    %dma_wait3A_25 = arith.constant 0 : i32
    %dma_wait3A_26 = tpu.memref_slice %arg5[%dma_wait3A, %dma_wait3A_25] : memref<4x128xi32, #tpu.memory_space<vmem>> -> memref<1x128xi32, #tpu.memory_space<vmem>>
    %dma_wait3A_27 = tpu.memref_squeeze %dma_wait3A_26 : memref<1x128xi32, #tpu.memory_space<vmem>> -> memref<128xi32, #tpu.memory_space<vmem>>
    %dma_wait3A_28 = arith.constant 0 : i32
    %dma_wait3A_29 = arith.constant 0 : i32
    %dma_wait3A_30 = tpu.memref_slice %arg3[%dma_wait3A_28, %dma_wait3A_29] : memref<253952x128xf32, #tpu.memory_space<hbm>> -> memref<253952x128xf32, #tpu.memory_space<hbm>>
    tpu.wait_indirect_dma semaphore(%arg9 : memref<!tpu.dma_semaphore, #tpu.memory_space<semaphore_mem>>) src(%dma_wait3A_30 : memref<253952x128xf32, #tpu.memory_space<hbm>>) dst(%arg6 : memref<128x128xf32, #tpu.memory_space<vmem>>)
    %add3A_31 = arith.constant 0 : i32
    %add3A_32 = arith.addi %mul3A_2, %add3A_31 : i32
    %dma_start3A_33 = arith.constant 0 : i32
    %dma_start3A_34 = tpu.memref_slice %arg4[%add3A_32, %dma_start3A_33] : memref<16384x128xf32, #tpu.memory_space<hbm>> -> memref<128x128xf32, #tpu.memory_space<hbm>>
    %dma_start3A_35 = arith.constant 0 : i32
    %dma_start3A_36 = tpu.memref_slice %arg4[%add3A_32, %dma_start3A_35] : memref<16384x128xf32, #tpu.memory_space<hbm>> -> memref<128x128xf32, #tpu.memory_space<hbm>>
    tpu.enqueue_dma source(%arg6 : memref<128x128xf32, #tpu.memory_space<vmem>>) target(%dma_start3A_36 : memref<128x128xf32, #tpu.memory_space<hbm>>) target_semaphore(%arg10 : memref<!tpu.dma_semaphore, #tpu.memory_space<semaphore_mem>>)
    %dma_wait3A_37 = arith.constant 0 : i32
    %dma_wait3A_38 = tpu.memref_slice %arg4[%add3A_32, %dma_wait3A_37] : memref<16384x128xf32, #tpu.memory_space<hbm>> -> memref<128x128xf32, #tpu.memory_space<hbm>>
    %dma_wait3A_39 = arith.constant 0 : i32
    %dma_wait3A_40 = tpu.memref_slice %arg4[%add3A_32, %dma_wait3A_39] : memref<16384x128xf32, #tpu.memory_space<hbm>> -> memref<128x128xf32, #tpu.memory_space<hbm>>
    tpu.wait_dma2 semaphore(%arg10 : memref<!tpu.dma_semaphore, #tpu.memory_space<semaphore_mem>>) src(%arg6 : memref<128x128xf32, #tpu.memory_space<vmem>>) dst(%dma_wait3A_40 : memref<128x128xf32, #tpu.memory_space<hbm>>)
    %dma_start3A_41 = arith.constant 3 : i32
    %dma_start3A_42 = arith.constant 0 : i32
    %dma_start3A_43 = tpu.memref_slice %arg5[%dma_start3A_41, %dma_start3A_42] : memref<4x128xi32, #tpu.memory_space<vmem>> -> memref<1x128xi32, #tpu.memory_space<vmem>>
    %dma_start3A_44 = tpu.memref_squeeze %dma_start3A_43 : memref<1x128xi32, #tpu.memory_space<vmem>> -> memref<128xi32, #tpu.memory_space<vmem>>
    %dma_start3A_45 = arith.constant 0 : i32
    %dma_start3A_46 = arith.constant 0 : i32
    %dma_start3A_47 = tpu.memref_slice %arg3[%dma_start3A_45, %dma_start3A_46] : memref<253952x128xf32, #tpu.memory_space<hbm>> -> memref<253952x128xf32, #tpu.memory_space<hbm>>
    tpu.enqueue_indirect_dma source(%dma_start3A_47 : memref<253952x128xf32, #tpu.memory_space<hbm>>) target(%arg6 : memref<128x128xf32, #tpu.memory_space<vmem>>) offsets(%dma_start3A_44 : memref<128xi32, #tpu.memory_space<vmem>>) semaphore(%arg9 : memref<!tpu.dma_semaphore, #tpu.memory_space<semaphore_mem>>)
    %dma_wait3A_48 = arith.constant 1 : i32
    %dma_wait3A_49 = arith.constant 0 : i32
    %dma_wait3A_50 = tpu.memref_slice %arg5[%dma_wait3A_48, %dma_wait3A_49] : memref<4x128xi32, #tpu.memory_space<vmem>> -> memref<1x128xi32, #tpu.memory_space<vmem>>
    %dma_wait3A_51 = tpu.memref_squeeze %dma_wait3A_50 : memref<1x128xi32, #tpu.memory_space<vmem>> -> memref<128xi32, #tpu.memory_space<vmem>>
    %dma_wait3A_52 = arith.constant 0 : i32
    %dma_wait3A_53 = arith.constant 0 : i32
    %dma_wait3A_54 = tpu.memref_slice %arg3[%dma_wait3A_52, %dma_wait3A_53] : memref<253952x128xf32, #tpu.memory_space<hbm>> -> memref<253952x128xf32, #tpu.memory_space<hbm>>
    tpu.wait_indirect_dma semaphore(%arg9 : memref<!tpu.dma_semaphore, #tpu.memory_space<semaphore_mem>>) src(%dma_wait3A_54 : memref<253952x128xf32, #tpu.memory_space<hbm>>) dst(%arg7 : memref<128x128xf32, #tpu.memory_space<vmem>>)
    %add3A_55 = arith.constant 128 : i32
    %add3A_56 = arith.addi %mul3A_2, %add3A_55 : i32
    %dma_start3A_57 = arith.constant 0 : i32
    %dma_start3A_58 = tpu.memref_slice %arg4[%add3A_56, %dma_start3A_57] : memref<16384x128xf32, #tpu.memory_space<hbm>> -> memref<128x128xf32, #tpu.memory_space<hbm>>
    %dma_start3A_59 = arith.constant 0 : i32
    %dma_start3A_60 = tpu.memref_slice %arg4[%add3A_56, %dma_start3A_59] : memref<16384x128xf32, #tpu.memory_space<hbm>> -> memref<128x128xf32, #tpu.memory_space<hbm>>
    tpu.enqueue_dma source(%arg7 : memref<128x128xf32, #tpu.memory_space<vmem>>) target(%dma_start3A_60 : memref<128x128xf32, #tpu.memory_space<hbm>>) target_semaphore(%arg10 : memref<!tpu.dma_semaphore, #tpu.memory_space<semaphore_mem>>)
    %dma_wait3A_61 = arith.constant 2 : i32
    %dma_wait3A_62 = arith.constant 0 : i32
    %dma_wait3A_63 = tpu.memref_slice %arg5[%dma_wait3A_61, %dma_wait3A_62] : memref<4x128xi32, #tpu.memory_space<vmem>> -> memref<1x128xi32, #tpu.memory_space<vmem>>
    %dma_wait3A_64 = tpu.memref_squeeze %dma_wait3A_63 : memref<1x128xi32, #tpu.memory_space<vmem>> -> memref<128xi32, #tpu.memory_space<vmem>>
    %dma_wait3A_65 = arith.constant 0 : i32
    %dma_wait3A_66 = arith.constant 0 : i32
    %dma_wait3A_67 = tpu.memref_slice %arg3[%dma_wait3A_65, %dma_wait3A_66] : memref<253952x128xf32, #tpu.memory_space<hbm>> -> memref<253952x128xf32, #tpu.memory_space<hbm>>
    tpu.wait_indirect_dma semaphore(%arg9 : memref<!tpu.dma_semaphore, #tpu.memory_space<semaphore_mem>>) src(%dma_wait3A_67 : memref<253952x128xf32, #tpu.memory_space<hbm>>) dst(%arg8 : memref<128x128xf32, #tpu.memory_space<vmem>>)
    %add3A_68 = arith.constant 256 : i32
    %add3A_69 = arith.addi %mul3A_2, %add3A_68 : i32
    %dma_start3A_70 = arith.constant 0 : i32
    %dma_start3A_71 = tpu.memref_slice %arg4[%add3A_69, %dma_start3A_70] : memref<16384x128xf32, #tpu.memory_space<hbm>> -> memref<128x128xf32, #tpu.memory_space<hbm>>
    %dma_start3A_72 = arith.constant 0 : i32
    %dma_start3A_73 = tpu.memref_slice %arg4[%add3A_69, %dma_start3A_72] : memref<16384x128xf32, #tpu.memory_space<hbm>> -> memref<128x128xf32, #tpu.memory_space<hbm>>
    tpu.enqueue_dma source(%arg8 : memref<128x128xf32, #tpu.memory_space<vmem>>) target(%dma_start3A_73 : memref<128x128xf32, #tpu.memory_space<hbm>>) target_semaphore(%arg10 : memref<!tpu.dma_semaphore, #tpu.memory_space<semaphore_mem>>)
    %dma_wait3A_74 = arith.constant 3 : i32
    %dma_wait3A_75 = arith.constant 0 : i32
    %dma_wait3A_76 = tpu.memref_slice %arg5[%dma_wait3A_74, %dma_wait3A_75] : memref<4x128xi32, #tpu.memory_space<vmem>> -> memref<1x128xi32, #tpu.memory_space<vmem>>
    %dma_wait3A_77 = tpu.memref_squeeze %dma_wait3A_76 : memref<1x128xi32, #tpu.memory_space<vmem>> -> memref<128xi32, #tpu.memory_space<vmem>>
    %dma_wait3A_78 = arith.constant 0 : i32
    %dma_wait3A_79 = arith.constant 0 : i32
    %dma_wait3A_80 = tpu.memref_slice %arg3[%dma_wait3A_78, %dma_wait3A_79] : memref<253952x128xf32, #tpu.memory_space<hbm>> -> memref<253952x128xf32, #tpu.memory_space<hbm>>
    tpu.wait_indirect_dma semaphore(%arg9 : memref<!tpu.dma_semaphore, #tpu.memory_space<semaphore_mem>>) src(%dma_wait3A_80 : memref<253952x128xf32, #tpu.memory_space<hbm>>) dst(%arg6 : memref<128x128xf32, #tpu.memory_space<vmem>>)
    %add3A_81 = arith.constant 384 : i32
    %add3A_82 = arith.addi %mul3A_2, %add3A_81 : i32
    %dma_start3A_83 = arith.constant 0 : i32
    %dma_start3A_84 = tpu.memref_slice %arg4[%add3A_82, %dma_start3A_83] : memref<16384x128xf32, #tpu.memory_space<hbm>> -> memref<128x128xf32, #tpu.memory_space<hbm>>
    %dma_start3A_85 = arith.constant 0 : i32
    %dma_start3A_86 = tpu.memref_slice %arg4[%add3A_82, %dma_start3A_85] : memref<16384x128xf32, #tpu.memory_space<hbm>> -> memref<128x128xf32, #tpu.memory_space<hbm>>
    tpu.enqueue_dma source(%arg6 : memref<128x128xf32, #tpu.memory_space<vmem>>) target(%dma_start3A_86 : memref<128x128xf32, #tpu.memory_space<hbm>>) target_semaphore(%arg10 : memref<!tpu.dma_semaphore, #tpu.memory_space<semaphore_mem>>)
    %dma_wait3A_87 = arith.constant 0 : i32
    %dma_wait3A_88 = tpu.memref_slice %arg4[%add3A_69, %dma_wait3A_87] : memref<16384x128xf32, #tpu.memory_space<hbm>> -> memref<128x128xf32, #tpu.memory_space<hbm>>
    %dma_wait3A_89 = arith.constant 0 : i32
    %dma_wait3A_90 = tpu.memref_slice %arg4[%add3A_69, %dma_wait3A_89] : memref<16384x128xf32, #tpu.memory_space<hbm>> -> memref<128x128xf32, #tpu.memory_space<hbm>>
    tpu.wait_dma2 semaphore(%arg10 : memref<!tpu.dma_semaphore, #tpu.memory_space<semaphore_mem>>) src(%arg8 : memref<128x128xf32, #tpu.memory_space<vmem>>) dst(%dma_wait3A_90 : memref<128x128xf32, #tpu.memory_space<hbm>>)
    %dma_wait3A_91 = arith.constant 0 : i32
    %dma_wait3A_92 = tpu.memref_slice %arg4[%add3A_82, %dma_wait3A_91] : memref<16384x128xf32, #tpu.memory_space<hbm>> -> memref<128x128xf32, #tpu.memory_space<hbm>>
    %dma_wait3A_93 = arith.constant 0 : i32
    %dma_wait3A_94 = tpu.memref_slice %arg4[%add3A_82, %dma_wait3A_93] : memref<16384x128xf32, #tpu.memory_space<hbm>> -> memref<128x128xf32, #tpu.memory_space<hbm>>
    tpu.wait_dma2 semaphore(%arg10 : memref<!tpu.dma_semaphore, #tpu.memory_space<semaphore_mem>>) src(%arg6 : memref<128x128xf32, #tpu.memory_space<vmem>>) dst(%dma_wait3A_94 : memref<128x128xf32, #tpu.memory_space<hbm>>)
    return
  }
}

module attributes {stable_mosaic.version = 14 : i64} {
  func.func @_slotize_body(%arg0: i32, %arg1: memref<32x32768xf32, #tpu.memory_space<vmem>>, %arg2: memref<8192x128xf32, #tpu.memory_space<vmem>>) attributes {dimension_semantics = [#tpu.dimension_semantics<arbitrary>], iteration_bounds = array<i64: 31>, scalar_prefetch = 0 : i64, scratch_operands = 0 : i64, tpu.core_type = #tpu.core_type<tc>, window_params = [{transform_indices = @transform_0, window_bounds = array<i64: 32, 32768>}, {transform_indices = @transform_1, window_bounds = array<i64: 8192, 128>}]} {
    %get3A = arith.constant 0 : index
    %get3A_0 = arith.constant 0 : index
    %get3A_1 = vector.load %arg1[%get3A, %get3A_0] : memref<32x32768xf32, #tpu.memory_space<vmem>>, vector<32x128xf32>
    %get3A_2 = arith.constant 0 : index
    %get3A_3 = arith.constant 128 : index
    %get3A_4 = vector.load %arg1[%get3A_2, %get3A_3] : memref<32x32768xf32, #tpu.memory_space<vmem>>, vector<32x128xf32>
    %get3A_5 = arith.constant 0 : index
    %get3A_6 = arith.constant 256 : index
    %get3A_7 = vector.load %arg1[%get3A_5, %get3A_6] : memref<32x32768xf32, #tpu.memory_space<vmem>>, vector<32x128xf32>
    %get3A_8 = arith.constant 0 : index
    %get3A_9 = arith.constant 384 : index
    %get3A_10 = vector.load %arg1[%get3A_8, %get3A_9] : memref<32x32768xf32, #tpu.memory_space<vmem>>, vector<32x128xf32>
    %concatenate3A = tpu.concatenate %get3A_1, %get3A_4, %get3A_7, %get3A_10 in 0 : vector<32x128xf32>, vector<32x128xf32>, vector<32x128xf32>, vector<32x128xf32> -> vector<128x128xf32>
    %transpose3A = tpu.transpose %concatenate3A, [1, 0] : vector<128x128xf32> -> vector<128x128xf32>
    %swap3A = arith.constant 0 : index
    %swap3A_11 = arith.constant 0 : index
    %swap3A_12 = vector.load %arg2[%swap3A, %swap3A_11] : memref<8192x128xf32, #tpu.memory_space<vmem>>, vector<128x128xf32>
    tpu.vector_store %arg2[%swap3A, %swap3A_11], %transpose3A {strides = array<i32>} : memref<8192x128xf32, #tpu.memory_space<vmem>>, vector<128x128xf32>,
    %get3A_13 = arith.constant 0 : index
    %get3A_14 = arith.constant 512 : index
    %get3A_15 = vector.load %arg1[%get3A_13, %get3A_14] : memref<32x32768xf32, #tpu.memory_space<vmem>>, vector<32x128xf32>
    %get3A_16 = arith.constant 0 : index
    %get3A_17 = arith.constant 640 : index
    %get3A_18 = vector.load %arg1[%get3A_16, %get3A_17] : memref<32x32768xf32, #tpu.memory_space<vmem>>, vector<32x128xf32>
    %get3A_19 = arith.constant 0 : index
    %get3A_20 = arith.constant 768 : index
    %get3A_21 = vector.load %arg1[%get3A_19, %get3A_20] : memref<32x32768xf32, #tpu.memory_space<vmem>>, vector<32x128xf32>
    %get3A_22 = arith.constant 0 : index
    %get3A_23 = arith.constant 896 : index
    %get3A_24 = vector.load %arg1[%get3A_22, %get3A_23] : memref<32x32768xf32, #tpu.memory_space<vmem>>, vector<32x128xf32>
    %concatenate3A_25 = tpu.concatenate %get3A_15, %get3A_18, %get3A_21, %get3A_24 in 0 : vector<32x128xf32>, vector<32x128xf32>, vector<32x128xf32>, vector<32x128xf32> -> vector<128x128xf32>
    %transpose3A_26 = tpu.transpose %concatenate3A_25, [1, 0] : vector<128x128xf32> -> vector<128x128xf32>
    %swap3A_27 = arith.constant 128 : index
    %swap3A_28 = arith.constant 0 : index
    %swap3A_29 = vector.load %arg2[%swap3A_27, %swap3A_28] : memref<8192x128xf32, #tpu.memory_space<vmem>>, vector<128x128xf32>
    tpu.vector_store %arg2[%swap3A_27, %swap3A_28], %transpose3A_26 {strides = array<i32>} : memref<8192x128xf32, #tpu.memory_space<vmem>>, vector<128x128xf32>,
    %get3A_30 = arith.constant 0 : index
    %get3A_31 = arith.constant 1024 : index
    %get3A_32 = vector.load %arg1[%get3A_30, %get3A_31] : memref<32x32768xf32, #tpu.memory_space<vmem>>, vector<32x128xf32>
    %get3A_33 = arith.constant 0 : index
    %get3A_34 = arith.constant 1152 : index
    %get3A_35 = vector.load %arg1[%get3A_33, %get3A_34] : memref<32x32768xf32, #tpu.memory_space<vmem>>, vector<32x128xf32>
    %get3A_36 = arith.constant 0 : index
    %get3A_37 = arith.constant 1280 : index
    %get3A_38 = vector.load %arg1[%get3A_36, %get3A_37] : memref<32x32768xf32, #tpu.memory_space<vmem>>, vector<32x128xf32>
    %get3A_39 = arith.constant 0 : index
    %get3A_40 = arith.constant 1408 : index
    %get3A_41 = vector.load %arg1[%get3A_39, %get3A_40] : memref<32x32768xf32, #tpu.memory_space<vmem>>, vector<32x128xf32>
    %concatenate3A_42 = tpu.concatenate %get3A_32, %get3A_35, %get3A_38, %get3A_41 in 0 : vector<32x128xf32>, vector<32x128xf32>, vector<32x128xf32>, vector<32x128xf32> -> vector<128x128xf32>
    %transpose3A_43 = tpu.transpose %concatenate3A_42, [1, 0] : vector<128x128xf32> -> vector<128x128xf32>
    %swap3A_44 = arith.constant 256 : index
    %swap3A_45 = arith.constant 0 : index
    %swap3A_46 = vector.load %arg2[%swap3A_44, %swap3A_45] : memref<8192x128xf32, #tpu.memory_space<vmem>>, vector<128x128xf32>
    tpu.vector_store %arg2[%swap3A_44, %swap3A_45], %transpose3A_43 {strides = array<i32>} : memref<8192x128xf32, #tpu.memory_space<vmem>>, vector<128x128xf32>,
    %get3A_47 = arith.constant 0 : index
    %get3A_48 = arith.constant 1536 : index
    %get3A_49 = vector.load %arg1[%get3A_47, %get3A_48] : memref<32x32768xf32, #tpu.memory_space<vmem>>, vector<32x128xf32>
    %get3A_50 = arith.constant 0 : index
    %get3A_51 = arith.constant 1664 : index
    %get3A_52 = vector.load %arg1[%get3A_50, %get3A_51] : memref<32x32768xf32, #tpu.memory_space<vmem>>, vector<32x128xf32>
    %get3A_53 = arith.constant 0 : index
    %get3A_54 = arith.constant 1792 : index
    %get3A_55 = vector.load %arg1[%get3A_53, %get3A_54] : memref<32x32768xf32, #tpu.memory_space<vmem>>, vector<32x128xf32>
    %get3A_56 = arith.constant 0 : index
    %get3A_57 = arith.constant 1920 : index
    %get3A_58 = vector.load %arg1[%get3A_56, %get3A_57] : memref<32x32768xf32, #tpu.memory_space<vmem>>, vector<32x128xf32>
    %concatenate3A_59 = tpu.concatenate %get3A_49, %get3A_52, %get3A_55, %get3A_58 in 0 : vector<32x128xf32>, vector<32x128xf32>, vector<32x128xf32>, vector<32x128xf32> -> vector<128x128xf32>
    %transpose3A_60 = tpu.transpose %concatenate3A_59, [1, 0] : vector<128x128xf32> -> vector<128x128xf32>
    %swap3A_61 = arith.constant 384 : index
    %swap3A_62 = arith.constant 0 : index
    %swap3A_63 = vector.load %arg2[%swap3A_61, %swap3A_62] : memref<8192x128xf32, #tpu.memory_space<vmem>>, vector<128x128xf32>
    tpu.vector_store %arg2[%swap3A_61, %swap3A_62], %transpose3A_60 {strides = array<i32>} : memref<8192x128xf32, #tpu.memory_space<vmem>>, vector<128x128xf32>,
    %get3A_64 = arith.constant 0 : index
    %get3A_65 = arith.constant 2048 : index
    %get3A_66 = vector.load %arg1[%get3A_64, %get3A_65] : memref<32x32768xf32, #tpu.memory_space<vmem>>, vector<32x128xf32>
    %get3A_67 = arith.constant 0 : index
    %get3A_68 = arith.constant 2176 : index
    %get3A_69 = vector.load %arg1[%get3A_67, %get3A_68] : memref<32x32768xf32, #tpu.memory_space<vmem>>, vector<32x128xf32>
    %get3A_70 = arith.constant 0 : index
    %get3A_71 = arith.constant 2304 : index
    %get3A_72 = vector.load %arg1[%get3A_70, %get3A_71] : memref<32x32768xf32, #tpu.memory_space<vmem>>, vector<32x128xf32>
    %get3A_73 = arith.constant 0 : index
    %get3A_74 = arith.constant 2432 : index
    %get3A_75 = vector.load %arg1[%get3A_73, %get3A_74] : memref<32x32768xf32, #tpu.memory_space<vmem>>, vector<32x128xf32>
    %concatenate3A_76 = tpu.concatenate %get3A_66, %get3A_69, %get3A_72, %get3A_75 in 0 : vector<32x128xf32>, vector<32x128xf32>, vector<32x128xf32>, vector<32x128xf32> -> vector<128x128xf32>
    %transpose3A_77 = tpu.transpose %concatenate3A_76, [1, 0] : vector<128x128xf32> -> vector<128x128xf32>
    %swap3A_78 = arith.constant 512 : index
    %swap3A_79 = arith.constant 0 : index
    %swap3A_80 = vector.load %arg2[%swap3A_78, %swap3A_79] : memref<8192x128xf32, #tpu.memory_space<vmem>>, vector<128x128xf32>
    tpu.vector_store %arg2[%swap3A_78, %swap3A_79], %transpose3A_77 {strides = array<i32>} : memref<8192x128xf32, #tpu.memory_space<vmem>>, vector<128x128xf32>,
    %get3A_81 = arith.constant 0 : index
    %get3A_82 = arith.constant 2560 : index
    %get3A_83 = vector.load %arg1[%get3A_81, %get3A_82] : memref<32x32768xf32, #tpu.memory_space<vmem>>, vector<32x128xf32>
    %get3A_84 = arith.constant 0 : index
    %get3A_85 = arith.constant 2688 : index
    %get3A_86 = vector.load %arg1[%get3A_84, %get3A_85] : memref<32x32768xf32, #tpu.memory_space<vmem>>, vector<32x128xf32>
    %get3A_87 = arith.constant 0 : index
    %get3A_88 = arith.constant 2816 : index
    %get3A_89 = vector.load %arg1[%get3A_87, %get3A_88] : memref<32x32768xf32, #tpu.memory_space<vmem>>, vector<32x128xf32>
    %get3A_90 = arith.constant 0 : index
    %get3A_91 = arith.constant 2944 : index
    %get3A_92 = vector.load %arg1[%get3A_90, %get3A_91] : memref<32x32768xf32, #tpu.memory_space<vmem>>, vector<32x128xf32>
    %concatenate3A_93 = tpu.concatenate %get3A_83, %get3A_86, %get3A_89, %get3A_92 in 0 : vector<32x128xf32>, vector<32x128xf32>, vector<32x128xf32>, vector<32x128xf32> -> vector<128x128xf32>
    %transpose3A_94 = tpu.transpose %concatenate3A_93, [1, 0] : vector<128x128xf32> -> vector<128x128xf32>
    %swap3A_95 = arith.constant 640 : index
    %swap3A_96 = arith.constant 0 : index
    %swap3A_97 = vector.load %arg2[%swap3A_95, %swap3A_96] : memref<8192x128xf32, #tpu.memory_space<vmem>>, vector<128x128xf32>
    tpu.vector_store %arg2[%swap3A_95, %swap3A_96], %transpose3A_94 {strides = array<i32>} : memref<8192x128xf32, #tpu.memory_space<vmem>>, vector<128x128xf32>,
    %get3A_98 = arith.constant 0 : index
    %get3A_99 = arith.constant 3072 : index
    %get3A_100 = vector.load %arg1[%get3A_98, %get3A_99] : memref<32x32768xf32, #tpu.memory_space<vmem>>, vector<32x128xf32>
    %get3A_101 = arith.constant 0 : index
    %get3A_102 = arith.constant 3200 : index
    %get3A_103 = vector.load %arg1[%get3A_101, %get3A_102] : memref<32x32768xf32, #tpu.memory_space<vmem>>, vector<32x128xf32>
    %get3A_104 = arith.constant 0 : index
    %get3A_105 = arith.constant 3328 : index
    %get3A_106 = vector.load %arg1[%get3A_104, %get3A_105] : memref<32x32768xf32, #tpu.memory_space<vmem>>, vector<32x128xf32>
    %get3A_107 = arith.constant 0 : index
    %get3A_108 = arith.constant 3456 : index
    %get3A_109 = vector.load %arg1[%get3A_107, %get3A_108] : memref<32x32768xf32, #tpu.memory_space<vmem>>, vector<32x128xf32>
    %concatenate3A_110 = tpu.concatenate %get3A_100, %get3A_103, %get3A_106, %get3A_109 in 0 : vector<32x128xf32>, vector<32x128xf32>, vector<32x128xf32>, vector<32x128xf32> -> vector<128x128xf32>
    %transpose3A_111 = tpu.transpose %concatenate3A_110, [1, 0] : vector<128x128xf32> -> vector<128x128xf32>
    %swap3A_112 = arith.constant 768 : index
    %swap3A_113 = arith.constant 0 : index
    %swap3A_114 = vector.load %arg2[%swap3A_112, %swap3A_113] : memref<8192x128xf32, #tpu.memory_space<vmem>>, vector<128x128xf32>
    tpu.vector_store %arg2[%swap3A_112, %swap3A_113], %transpose3A_111 {strides = array<i32>} : memref<8192x128xf32, #tpu.memory_space<vmem>>, vector<128x128xf32>,
    %get3A_115 = arith.constant 0 : index
    %get3A_116 = arith.constant 3584 : index
    %get3A_117 = vector.load %arg1[%get3A_115, %get3A_116] : memref<32x32768xf32, #tpu.memory_space<vmem>>, vector<32x128xf32>
    %get3A_118 = arith.constant 0 : index
    %get3A_119 = arith.constant 3712 : index
    %get3A_120 = vector.load %arg1[%get3A_118, %get3A_119] : memref<32x32768xf32, #tpu.memory_space<vmem>>, vector<32x128xf32>
    %get3A_121 = arith.constant 0 : index
    %get3A_122 = arith.constant 3840 : index
    %get3A_123 = vector.load %arg1[%get3A_121, %get3A_122] : memref<32x32768xf32, #tpu.memory_space<vmem>>, vector<32x128xf32>
    %get3A_124 = arith.constant 0 : index
    %get3A_125 = arith.constant 3968 : index
    %get3A_126 = vector.load %arg1[%get3A_124, %get3A_125] : memref<32x32768xf32, #tpu.memory_space<vmem>>, vector<32x128xf32>
    %concatenate3A_127 = tpu.concatenate %get3A_117, %get3A_120, %get3A_123, %get3A_126 in 0 : vector<32x128xf32>, vector<32x128xf32>, vector<32x128xf32>, vector<32x128xf32> -> vector<128x128xf32>
    %transpose3A_128 = tpu.transpose %concatenate3A_127, [1, 0] : vector<128x128xf32> -> vector<128x128xf32>
    %swap3A_129 = arith.constant 896 : index
    %swap3A_130 = arith.constant 0 : index
    %swap3A_131 = vector.load %arg2[%swap3A_129, %swap3A_130] : memref<8192x128xf32, #tpu.memory_space<vmem>>, vector<128x128xf32>
    tpu.vector_store %arg2[%swap3A_129, %swap3A_130], %transpose3A_128 {strides = array<i32>} : memref<8192x128xf32, #tpu.memory_space<vmem>>, vector<128x128xf32>,
    %get3A_132 = arith.constant 0 : index
    %get3A_133 = arith.constant 4096 : index
    %get3A_134 = vector.load %arg1[%get3A_132, %get3A_133] : memref<32x32768xf32, #tpu.memory_space<vmem>>, vector<32x128xf32>
    %get3A_135 = arith.constant 0 : index
    %get3A_136 = arith.constant 4224 : index
    %get3A_137 = vector.load %arg1[%get3A_135, %get3A_136] : memref<32x32768xf32, #tpu.memory_space<vmem>>, vector<32x128xf32>
    %get3A_138 = arith.constant 0 : index
    %get3A_139 = arith.constant 4352 : index
    %get3A_140 = vector.load %arg1[%get3A_138, %get3A_139] : memref<32x32768xf32, #tpu.memory_space<vmem>>, vector<32x128xf32>
    %get3A_141 = arith.constant 0 : index
    %get3A_142 = arith.constant 4480 : index
    %get3A_143 = vector.load %arg1[%get3A_141, %get3A_142] : memref<32x32768xf32, #tpu.memory_space<vmem>>, vector<32x128xf32>
    %concatenate3A_144 = tpu.concatenate %get3A_134, %get3A_137, %get3A_140, %get3A_143 in 0 : vector<32x128xf32>, vector<32x128xf32>, vector<32x128xf32>, vector<32x128xf32> -> vector<128x128xf32>
    %transpose3A_145 = tpu.transpose %concatenate3A_144, [1, 0] : vector<128x128xf32> -> vector<128x128xf32>
    %swap3A_146 = arith.constant 1024 : index
    %swap3A_147 = arith.constant 0 : index
    %swap3A_148 = vector.load %arg2[%swap3A_146, %swap3A_147] : memref<8192x128xf32, #tpu.memory_space<vmem>>, vector<128x128xf32>
    tpu.vector_store %arg2[%swap3A_146, %swap3A_147], %transpose3A_145 {strides = array<i32>} : memref<8192x128xf32, #tpu.memory_space<vmem>>, vector<128x128xf32>,
    %get3A_149 = arith.constant 0 : index
    %get3A_150 = arith.constant 4608 : index
    %get3A_151 = vector.load %arg1[%get3A_149, %get3A_150] : memref<32x32768xf32, #tpu.memory_space<vmem>>, vector<32x128xf32>
    %get3A_152 = arith.constant 0 : index
    %get3A_153 = arith.constant 4736 : index
    %get3A_154 = vector.load %arg1[%get3A_152, %get3A_153] : memref<32x32768xf32, #tpu.memory_space<vmem>>, vector<32x128xf32>
    %get3A_155 = arith.constant 0 : index
    %get3A_156 = arith.constant 4864 : index
    %get3A_157 = vector.load %arg1[%get3A_155, %get3A_156] : memref<32x32768xf32, #tpu.memory_space<vmem>>, vector<32x128xf32>
    %get3A_158 = arith.constant 0 : index
    %get3A_159 = arith.constant 4992 : index
    %get3A_160 = vector.load %arg1[%get3A_158, %get3A_159] : memref<32x32768xf32, #tpu.memory_space<vmem>>, vector<32x128xf32>
    %concatenate3A_161 = tpu.concatenate %get3A_151, %get3A_154, %get3A_157, %get3A_160 in 0 : vector<32x128xf32>, vector<32x128xf32>, vector<32x128xf32>, vector<32x128xf32> -> vector<128x128xf32>
    %transpose3A_162 = tpu.transpose %concatenate3A_161, [1, 0] : vector<128x128xf32> -> vector<128x128xf32>
    %swap3A_163 = arith.constant 1152 : index
    %swap3A_164 = arith.constant 0 : index
    %swap3A_165 = vector.load %arg2[%swap3A_163, %swap3A_164] : memref<8192x128xf32, #tpu.memory_space<vmem>>, vector<128x128xf32>
    tpu.vector_store %arg2[%swap3A_163, %swap3A_164], %transpose3A_162 {strides = array<i32>} : memref<8192x128xf32, #tpu.memory_space<vmem>>, vector<128x128xf32>,
    %get3A_166 = arith.constant 0 : index
    %get3A_167 = arith.constant 5120 : index
    %get3A_168 = vector.load %arg1[%get3A_166, %get3A_167] : memref<32x32768xf32, #tpu.memory_space<vmem>>, vector<32x128xf32>
    %get3A_169 = arith.constant 0 : index
    %get3A_170 = arith.constant 5248 : index
    %get3A_171 = vector.load %arg1[%get3A_169, %get3A_170] : memref<32x32768xf32, #tpu.memory_space<vmem>>, vector<32x128xf32>
    %get3A_172 = arith.constant 0 : index
    %get3A_173 = arith.constant 5376 : index
    %get3A_174 = vector.load %arg1[%get3A_172, %get3A_173] : memref<32x32768xf32, #tpu.memory_space<vmem>>, vector<32x128xf32>
    %get3A_175 = arith.constant 0 : index
    %get3A_176 = arith.constant 5504 : index
    %get3A_177 = vector.load %arg1[%get3A_175, %get3A_176] : memref<32x32768xf32, #tpu.memory_space<vmem>>, vector<32x128xf32>
    %concatenate3A_178 = tpu.concatenate %get3A_168, %get3A_171, %get3A_174, %get3A_177 in 0 : vector<32x128xf32>, vector<32x128xf32>, vector<32x128xf32>, vector<32x128xf32> -> vector<128x128xf32>
    %transpose3A_179 = tpu.transpose %concatenate3A_178, [1, 0] : vector<128x128xf32> -> vector<128x128xf32>
    %swap3A_180 = arith.constant 1280 : index
    %swap3A_181 = arith.constant 0 : index
    %swap3A_182 = vector.load %arg2[%swap3A_180, %swap3A_181] : memref<8192x128xf32, #tpu.memory_space<vmem>>, vector<128x128xf32>
    tpu.vector_store %arg2[%swap3A_180, %swap3A_181], %transpose3A_179 {strides = array<i32>} : memref<8192x128xf32, #tpu.memory_space<vmem>>, vector<128x128xf32>,
    %get3A_183 = arith.constant 0 : index
    %get3A_184 = arith.constant 5632 : index
    %get3A_185 = vector.load %arg1[%get3A_183, %get3A_184] : memref<32x32768xf32, #tpu.memory_space<vmem>>, vector<32x128xf32>
    %get3A_186 = arith.constant 0 : index
    %get3A_187 = arith.constant 5760 : index
    %get3A_188 = vector.load %arg1[%get3A_186, %get3A_187] : memref<32x32768xf32, #tpu.memory_space<vmem>>, vector<32x128xf32>
    %get3A_189 = arith.constant 0 : index
    %get3A_190 = arith.constant 5888 : index
    %get3A_191 = vector.load %arg1[%get3A_189, %get3A_190] : memref<32x32768xf32, #tpu.memory_space<vmem>>, vector<32x128xf32>
    %get3A_192 = arith.constant 0 : index
    %get3A_193 = arith.constant 6016 : index
    %get3A_194 = vector.load %arg1[%get3A_192, %get3A_193] : memref<32x32768xf32, #tpu.memory_space<vmem>>, vector<32x128xf32>
    %concatenate3A_195 = tpu.concatenate %get3A_185, %get3A_188, %get3A_191, %get3A_194 in 0 : vector<32x128xf32>, vector<32x128xf32>, vector<32x128xf32>, vector<32x128xf32> -> vector<128x128xf32>
    %transpose3A_196 = tpu.transpose %concatenate3A_195, [1, 0] : vector<128x128xf32> -> vector<128x128xf32>
    %swap3A_197 = arith.constant 1408 : index
    %swap3A_198 = arith.constant 0 : index
    %swap3A_199 = vector.load %arg2[%swap3A_197, %swap3A_198] : memref<8192x128xf32, #tpu.memory_space<vmem>>, vector<128x128xf32>
    tpu.vector_store %arg2[%swap3A_197, %swap3A_198], %transpose3A_196 {strides = array<i32>} : memref<8192x128xf32, #tpu.memory_space<vmem>>, vector<128x128xf32>,
    %get3A_200 = arith.constant 0 : index
    %get3A_201 = arith.constant 6144 : index
    %get3A_202 = vector.load %arg1[%get3A_200, %get3A_201] : memref<32x32768xf32, #tpu.memory_space<vmem>>, vector<32x128xf32>
    %get3A_203 = arith.constant 0 : index
    %get3A_204 = arith.constant 6272 : index
    %get3A_205 = vector.load %arg1[%get3A_203, %get3A_204] : memref<32x32768xf32, #tpu.memory_space<vmem>>, vector<32x128xf32>
    %get3A_206 = arith.constant 0 : index
    %get3A_207 = arith.constant 6400 : index
    %get3A_208 = vector.load %arg1[%get3A_206, %get3A_207] : memref<32x32768xf32, #tpu.memory_space<vmem>>, vector<32x128xf32>
    %get3A_209 = arith.constant 0 : index
    %get3A_210 = arith.constant 6528 : index
    %get3A_211 = vector.load %arg1[%get3A_209, %get3A_210] : memref<32x32768xf32, #tpu.memory_space<vmem>>, vector<32x128xf32>
    %concatenate3A_212 = tpu.concatenate %get3A_202, %get3A_205, %get3A_208, %get3A_211 in 0 : vector<32x128xf32>, vector<32x128xf32>, vector<32x128xf32>, vector<32x128xf32> -> vector<128x128xf32>
    %transpose3A_213 = tpu.transpose %concatenate3A_212, [1, 0] : vector<128x128xf32> -> vector<128x128xf32>
    %swap3A_214 = arith.constant 1536 : index
    %swap3A_215 = arith.constant 0 : index
    %swap3A_216 = vector.load %arg2[%swap3A_214, %swap3A_215] : memref<8192x128xf32, #tpu.memory_space<vmem>>, vector<128x128xf32>
    tpu.vector_store %arg2[%swap3A_214, %swap3A_215], %transpose3A_213 {strides = array<i32>} : memref<8192x128xf32, #tpu.memory_space<vmem>>, vector<128x128xf32>,
    %get3A_217 = arith.constant 0 : index
    %get3A_218 = arith.constant 6656 : index
    %get3A_219 = vector.load %arg1[%get3A_217, %get3A_218] : memref<32x32768xf32, #tpu.memory_space<vmem>>, vector<32x128xf32>
    %get3A_220 = arith.constant 0 : index
    %get3A_221 = arith.constant 6784 : index
    %get3A_222 = vector.load %arg1[%get3A_220, %get3A_221] : memref<32x32768xf32, #tpu.memory_space<vmem>>, vector<32x128xf32>
    %get3A_223 = arith.constant 0 : index
    %get3A_224 = arith.constant 6912 : index
    %get3A_225 = vector.load %arg1[%get3A_223, %get3A_224] : memref<32x32768xf32, #tpu.memory_space<vmem>>, vector<32x128xf32>
    %get3A_226 = arith.constant 0 : index
    %get3A_227 = arith.constant 7040 : index
    %get3A_228 = vector.load %arg1[%get3A_226, %get3A_227] : memref<32x32768xf32, #tpu.memory_space<vmem>>, vector<32x128xf32>
    %concatenate3A_229 = tpu.concatenate %get3A_219, %get3A_222, %get3A_225, %get3A_228 in 0 : vector<32x128xf32>, vector<32x128xf32>, vector<32x128xf32>, vector<32x128xf32> -> vector<128x128xf32>
    %transpose3A_230 = tpu.transpose %concatenate3A_229, [1, 0] : vector<128x128xf32> -> vector<128x128xf32>
    %swap3A_231 = arith.constant 1664 : index
    %swap3A_232 = arith.constant 0 : index
    %swap3A_233 = vector.load %arg2[%swap3A_231, %swap3A_232] : memref<8192x128xf32, #tpu.memory_space<vmem>>, vector<128x128xf32>
    tpu.vector_store %arg2[%swap3A_231, %swap3A_232], %transpose3A_230 {strides = array<i32>} : memref<8192x128xf32, #tpu.memory_space<vmem>>, vector<128x128xf32>,
    %get3A_234 = arith.constant 0 : index
    %get3A_235 = arith.constant 7168 : index
    %get3A_236 = vector.load %arg1[%get3A_234, %get3A_235] : memref<32x32768xf32, #tpu.memory_space<vmem>>, vector<32x128xf32>
    %get3A_237 = arith.constant 0 : index
    %get3A_238 = arith.constant 7296 : index
    %get3A_239 = vector.load %arg1[%get3A_237, %get3A_238] : memref<32x32768xf32, #tpu.memory_space<vmem>>, vector<32x128xf32>
    %get3A_240 = arith.constant 0 : index
    %get3A_241 = arith.constant 7424 : index
    %get3A_242 = vector.load %arg1[%get3A_240, %get3A_241] : memref<32x32768xf32, #tpu.memory_space<vmem>>, vector<32x128xf32>
    %get3A_243 = arith.constant 0 : index
    %get3A_244 = arith.constant 7552 : index
    %get3A_245 = vector.load %arg1[%get3A_243, %get3A_244] : memref<32x32768xf32, #tpu.memory_space<vmem>>, vector<32x128xf32>
    %concatenate3A_246 = tpu.concatenate %get3A_236, %get3A_239, %get3A_242, %get3A_245 in 0 : vector<32x128xf32>, vector<32x128xf32>, vector<32x128xf32>, vector<32x128xf32> -> vector<128x128xf32>
    %transpose3A_247 = tpu.transpose %concatenate3A_246, [1, 0] : vector<128x128xf32> -> vector<128x128xf32>
    %swap3A_248 = arith.constant 1792 : index
    %swap3A_249 = arith.constant 0 : index
    %swap3A_250 = vector.load %arg2[%swap3A_248, %swap3A_249] : memref<8192x128xf32, #tpu.memory_space<vmem>>, vector<128x128xf32>
    tpu.vector_store %arg2[%swap3A_248, %swap3A_249], %transpose3A_247 {strides = array<i32>} : memref<8192x128xf32, #tpu.memory_space<vmem>>, vector<128x128xf32>,
    %get3A_251 = arith.constant 0 : index
    %get3A_252 = arith.constant 7680 : index
    %get3A_253 = vector.load %arg1[%get3A_251, %get3A_252] : memref<32x32768xf32, #tpu.memory_space<vmem>>, vector<32x128xf32>
    %get3A_254 = arith.constant 0 : index
    %get3A_255 = arith.constant 7808 : index
    %get3A_256 = vector.load %arg1[%get3A_254, %get3A_255] : memref<32x32768xf32, #tpu.memory_space<vmem>>, vector<32x128xf32>
    %get3A_257 = arith.constant 0 : index
    %get3A_258 = arith.constant 7936 : index
    %get3A_259 = vector.load %arg1[%get3A_257, %get3A_258] : memref<32x32768xf32, #tpu.memory_space<vmem>>, vector<32x128xf32>
    %get3A_260 = arith.constant 0 : index
    %get3A_261 = arith.constant 8064 : index
    %get3A_262 = vector.load %arg1[%get3A_260, %get3A_261] : memref<32x32768xf32, #tpu.memory_space<vmem>>, vector<32x128xf32>
    %concatenate3A_263 = tpu.concatenate %get3A_253, %get3A_256, %get3A_259, %get3A_262 in 0 : vector<32x128xf32>, vector<32x128xf32>, vector<32x128xf32>, vector<32x128xf32> -> vector<128x128xf32>
    %transpose3A_264 = tpu.transpose %concatenate3A_263, [1, 0] : vector<128x128xf32> -> vector<128x128xf32>
    %swap3A_265 = arith.constant 1920 : index
    %swap3A_266 = arith.constant 0 : index
    %swap3A_267 = vector.load %arg2[%swap3A_265, %swap3A_266] : memref<8192x128xf32, #tpu.memory_space<vmem>>, vector<128x128xf32>
    tpu.vector_store %arg2[%swap3A_265, %swap3A_266], %transpose3A_264 {strides = array<i32>} : memref<8192x128xf32, #tpu.memory_space<vmem>>, vector<128x128xf32>,
    %get3A_268 = arith.constant 0 : index
    %get3A_269 = arith.constant 8192 : index
    %get3A_270 = vector.load %arg1[%get3A_268, %get3A_269] : memref<32x32768xf32, #tpu.memory_space<vmem>>, vector<32x128xf32>
    %get3A_271 = arith.constant 0 : index
    %get3A_272 = arith.constant 8320 : index
    %get3A_273 = vector.load %arg1[%get3A_271, %get3A_272] : memref<32x32768xf32, #tpu.memory_space<vmem>>, vector<32x128xf32>
    %get3A_274 = arith.constant 0 : index
    %get3A_275 = arith.constant 8448 : index
    %get3A_276 = vector.load %arg1[%get3A_274, %get3A_275] : memref<32x32768xf32, #tpu.memory_space<vmem>>, vector<32x128xf32>
    %get3A_277 = arith.constant 0 : index
    %get3A_278 = arith.constant 8576 : index
    %get3A_279 = vector.load %arg1[%get3A_277, %get3A_278] : memref<32x32768xf32, #tpu.memory_space<vmem>>, vector<32x128xf32>
    %concatenate3A_280 = tpu.concatenate %get3A_270, %get3A_273, %get3A_276, %get3A_279 in 0 : vector<32x128xf32>, vector<32x128xf32>, vector<32x128xf32>, vector<32x128xf32> -> vector<128x128xf32>
    %transpose3A_281 = tpu.transpose %concatenate3A_280, [1, 0] : vector<128x128xf32> -> vector<128x128xf32>
    %swap3A_282 = arith.constant 2048 : index
    %swap3A_283 = arith.constant 0 : index
    %swap3A_284 = vector.load %arg2[%swap3A_282, %swap3A_283] : memref<8192x128xf32, #tpu.memory_space<vmem>>, vector<128x128xf32>
    tpu.vector_store %arg2[%swap3A_282, %swap3A_283], %transpose3A_281 {strides = array<i32>} : memref<8192x128xf32, #tpu.memory_space<vmem>>, vector<128x128xf32>,
    %get3A_285 = arith.constant 0 : index
    %get3A_286 = arith.constant 8704 : index
    %get3A_287 = vector.load %arg1[%get3A_285, %get3A_286] : memref<32x32768xf32, #tpu.memory_space<vmem>>, vector<32x128xf32>
    %get3A_288 = arith.constant 0 : index
    %get3A_289 = arith.constant 8832 : index
    %get3A_290 = vector.load %arg1[%get3A_288, %get3A_289] : memref<32x32768xf32, #tpu.memory_space<vmem>>, vector<32x128xf32>
    %get3A_291 = arith.constant 0 : index
    %get3A_292 = arith.constant 8960 : index
    %get3A_293 = vector.load %arg1[%get3A_291, %get3A_292] : memref<32x32768xf32, #tpu.memory_space<vmem>>, vector<32x128xf32>
    %get3A_294 = arith.constant 0 : index
    %get3A_295 = arith.constant 9088 : index
    %get3A_296 = vector.load %arg1[%get3A_294, %get3A_295] : memref<32x32768xf32, #tpu.memory_space<vmem>>, vector<32x128xf32>
    %concatenate3A_297 = tpu.concatenate %get3A_287, %get3A_290, %get3A_293, %get3A_296 in 0 : vector<32x128xf32>, vector<32x128xf32>, vector<32x128xf32>, vector<32x128xf32> -> vector<128x128xf32>
    %transpose3A_298 = tpu.transpose %concatenate3A_297, [1, 0] : vector<128x128xf32> -> vector<128x128xf32>
    %swap3A_299 = arith.constant 2176 : index
    %swap3A_300 = arith.constant 0 : index
    %swap3A_301 = vector.load %arg2[%swap3A_299, %swap3A_300] : memref<8192x128xf32, #tpu.memory_space<vmem>>, vector<128x128xf32>
    tpu.vector_store %arg2[%swap3A_299, %swap3A_300], %transpose3A_298 {strides = array<i32>} : memref<8192x128xf32, #tpu.memory_space<vmem>>, vector<128x128xf32>,
    %get3A_302 = arith.constant 0 : index
    %get3A_303 = arith.constant 9216 : index
    %get3A_304 = vector.load %arg1[%get3A_302, %get3A_303] : memref<32x32768xf32, #tpu.memory_space<vmem>>, vector<32x128xf32>
    %get3A_305 = arith.constant 0 : index
    %get3A_306 = arith.constant 9344 : index
    %get3A_307 = vector.load %arg1[%get3A_305, %get3A_306] : memref<32x32768xf32, #tpu.memory_space<vmem>>, vector<32x128xf32>
    %get3A_308 = arith.constant 0 : index
    %get3A_309 = arith.constant 9472 : index
    %get3A_310 = vector.load %arg1[%get3A_308, %get3A_309] : memref<32x32768xf32, #tpu.memory_space<vmem>>, vector<32x128xf32>
    %get3A_311 = arith.constant 0 : index
    %get3A_312 = arith.constant 9600 : index
    %get3A_313 = vector.load %arg1[%get3A_311, %get3A_312] : memref<32x32768xf32, #tpu.memory_space<vmem>>, vector<32x128xf32>
    %concatenate3A_314 = tpu.concatenate %get3A_304, %get3A_307, %get3A_310, %get3A_313 in 0 : vector<32x128xf32>, vector<32x128xf32>, vector<32x128xf32>, vector<32x128xf32> -> vector<128x128xf32>
    %transpose3A_315 = tpu.transpose %concatenate3A_314, [1, 0] : vector<128x128xf32> -> vector<128x128xf32>
    %swap3A_316 = arith.constant 2304 : index
    %swap3A_317 = arith.constant 0 : index
    %swap3A_318 = vector.load %arg2[%swap3A_316, %swap3A_317] : memref<8192x128xf32, #tpu.memory_space<vmem>>, vector<128x128xf32>
    tpu.vector_store %arg2[%swap3A_316, %swap3A_317], %transpose3A_315 {strides = array<i32>} : memref<8192x128xf32, #tpu.memory_space<vmem>>, vector<128x128xf32>,
    %get3A_319 = arith.constant 0 : index
    %get3A_320 = arith.constant 9728 : index
    %get3A_321 = vector.load %arg1[%get3A_319, %get3A_320] : memref<32x32768xf32, #tpu.memory_space<vmem>>, vector<32x128xf32>
    %get3A_322 = arith.constant 0 : index
    %get3A_323 = arith.constant 9856 : index
    %get3A_324 = vector.load %arg1[%get3A_322, %get3A_323] : memref<32x32768xf32, #tpu.memory_space<vmem>>, vector<32x128xf32>
    %get3A_325 = arith.constant 0 : index
    %get3A_326 = arith.constant 9984 : index
    %get3A_327 = vector.load %arg1[%get3A_325, %get3A_326] : memref<32x32768xf32, #tpu.memory_space<vmem>>, vector<32x128xf32>
    %get3A_328 = arith.constant 0 : index
    %get3A_329 = arith.constant 10112 : index
    %get3A_330 = vector.load %arg1[%get3A_328, %get3A_329] : memref<32x32768xf32, #tpu.memory_space<vmem>>, vector<32x128xf32>
    %concatenate3A_331 = tpu.concatenate %get3A_321, %get3A_324, %get3A_327, %get3A_330 in 0 : vector<32x128xf32>, vector<32x128xf32>, vector<32x128xf32>, vector<32x128xf32> -> vector<128x128xf32>
    %transpose3A_332 = tpu.transpose %concatenate3A_331, [1, 0] : vector<128x128xf32> -> vector<128x128xf32>
    %swap3A_333 = arith.constant 2432 : index
    %swap3A_334 = arith.constant 0 : index
    %swap3A_335 = vector.load %arg2[%swap3A_333, %swap3A_334] : memref<8192x128xf32, #tpu.memory_space<vmem>>, vector<128x128xf32>
    tpu.vector_store %arg2[%swap3A_333, %swap3A_334], %transpose3A_332 {strides = array<i32>} : memref<8192x128xf32, #tpu.memory_space<vmem>>, vector<128x128xf32>,
    %get3A_336 = arith.constant 0 : index
    %get3A_337 = arith.constant 10240 : index
    %get3A_338 = vector.load %arg1[%get3A_336, %get3A_337] : memref<32x32768xf32, #tpu.memory_space<vmem>>, vector<32x128xf32>
    %get3A_339 = arith.constant 0 : index
    %get3A_340 = arith.constant 10368 : index
    %get3A_341 = vector.load %arg1[%get3A_339, %get3A_340] : memref<32x32768xf32, #tpu.memory_space<vmem>>, vector<32x128xf32>
    %get3A_342 = arith.constant 0 : index
    %get3A_343 = arith.constant 10496 : index
    %get3A_344 = vector.load %arg1[%get3A_342, %get3A_343] : memref<32x32768xf32, #tpu.memory_space<vmem>>, vector<32x128xf32>
    %get3A_345 = arith.constant 0 : index
    %get3A_346 = arith.constant 10624 : index
    %get3A_347 = vector.load %arg1[%get3A_345, %get3A_346] : memref<32x32768xf32, #tpu.memory_space<vmem>>, vector<32x128xf32>
    %concatenate3A_348 = tpu.concatenate %get3A_338, %get3A_341, %get3A_344, %get3A_347 in 0 : vector<32x128xf32>, vector<32x128xf32>, vector<32x128xf32>, vector<32x128xf32> -> vector<128x128xf32>
    %transpose3A_349 = tpu.transpose %concatenate3A_348, [1, 0] : vector<128x128xf32> -> vector<128x128xf32>
    %swap3A_350 = arith.constant 2560 : index
    %swap3A_351 = arith.constant 0 : index
    %swap3A_352 = vector.load %arg2[%swap3A_350, %swap3A_351] : memref<8192x128xf32, #tpu.memory_space<vmem>>, vector<128x128xf32>
    tpu.vector_store %arg2[%swap3A_350, %swap3A_351], %transpose3A_349 {strides = array<i32>} : memref<8192x128xf32, #tpu.memory_space<vmem>>, vector<128x128xf32>,
    %get3A_353 = arith.constant 0 : index
    %get3A_354 = arith.constant 10752 : index
    %get3A_355 = vector.load %arg1[%get3A_353, %get3A_354] : memref<32x32768xf32, #tpu.memory_space<vmem>>, vector<32x128xf32>
    %get3A_356 = arith.constant 0 : index
    %get3A_357 = arith.constant 10880 : index
    %get3A_358 = vector.load %arg1[%get3A_356, %get3A_357] : memref<32x32768xf32, #tpu.memory_space<vmem>>, vector<32x128xf32>
    %get3A_359 = arith.constant 0 : index
    %get3A_360 = arith.constant 11008 : index
    %get3A_361 = vector.load %arg1[%get3A_359, %get3A_360] : memref<32x32768xf32, #tpu.memory_space<vmem>>, vector<32x128xf32>
    %get3A_362 = arith.constant 0 : index
    %get3A_363 = arith.constant 11136 : index
    %get3A_364 = vector.load %arg1[%get3A_362, %get3A_363] : memref<32x32768xf32, #tpu.memory_space<vmem>>, vector<32x128xf32>
    %concatenate3A_365 = tpu.concatenate %get3A_355, %get3A_358, %get3A_361, %get3A_364 in 0 : vector<32x128xf32>, vector<32x128xf32>, vector<32x128xf32>, vector<32x128xf32> -> vector<128x128xf32>
    %transpose3A_366 = tpu.transpose %concatenate3A_365, [1, 0] : vector<128x128xf32> -> vector<128x128xf32>
    %swap3A_367 = arith.constant 2688 : index
    %swap3A_368 = arith.constant 0 : index
    %swap3A_369 = vector.load %arg2[%swap3A_367, %swap3A_368] : memref<8192x128xf32, #tpu.memory_space<vmem>>, vector<128x128xf32>
    tpu.vector_store %arg2[%swap3A_367, %swap3A_368], %transpose3A_366 {strides = array<i32>} : memref<8192x128xf32, #tpu.memory_space<vmem>>, vector<128x128xf32>,
    %get3A_370 = arith.constant 0 : index
    %get3A_371 = arith.constant 11264 : index
    %get3A_372 = vector.load %arg1[%get3A_370, %get3A_371] : memref<32x32768xf32, #tpu.memory_space<vmem>>, vector<32x128xf32>
    %get3A_373 = arith.constant 0 : index
    %get3A_374 = arith.constant 11392 : index
    %get3A_375 = vector.load %arg1[%get3A_373, %get3A_374] : memref<32x32768xf32, #tpu.memory_space<vmem>>, vector<32x128xf32>
    %get3A_376 = arith.constant 0 : index
    %get3A_377 = arith.constant 11520 : index
    %get3A_378 = vector.load %arg1[%get3A_376, %get3A_377] : memref<32x32768xf32, #tpu.memory_space<vmem>>, vector<32x128xf32>
    %get3A_379 = arith.constant 0 : index
    %get3A_380 = arith.constant 11648 : index
    %get3A_381 = vector.load %arg1[%get3A_379, %get3A_380] : memref<32x32768xf32, #tpu.memory_space<vmem>>, vector<32x128xf32>
    %concatenate3A_382 = tpu.concatenate %get3A_372, %get3A_375, %get3A_378, %get3A_381 in 0 : vector<32x128xf32>, vector<32x128xf32>, vector<32x128xf32>, vector<32x128xf32> -> vector<128x128xf32>
    %transpose3A_383 = tpu.transpose %concatenate3A_382, [1, 0] : vector<128x128xf32> -> vector<128x128xf32>
    %swap3A_384 = arith.constant 2816 : index
    %swap3A_385 = arith.constant 0 : index
    %swap3A_386 = vector.load %arg2[%swap3A_384, %swap3A_385] : memref<8192x128xf32, #tpu.memory_space<vmem>>, vector<128x128xf32>
    tpu.vector_store %arg2[%swap3A_384, %swap3A_385], %transpose3A_383 {strides = array<i32>} : memref<8192x128xf32, #tpu.memory_space<vmem>>, vector<128x128xf32>,
    %get3A_387 = arith.constant 0 : index
    %get3A_388 = arith.constant 11776 : index
    %get3A_389 = vector.load %arg1[%get3A_387, %get3A_388] : memref<32x32768xf32, #tpu.memory_space<vmem>>, vector<32x128xf32>
    %get3A_390 = arith.constant 0 : index
    %get3A_391 = arith.constant 11904 : index
    %get3A_392 = vector.load %arg1[%get3A_390, %get3A_391] : memref<32x32768xf32, #tpu.memory_space<vmem>>, vector<32x128xf32>
    %get3A_393 = arith.constant 0 : index
    %get3A_394 = arith.constant 12032 : index
    %get3A_395 = vector.load %arg1[%get3A_393, %get3A_394] : memref<32x32768xf32, #tpu.memory_space<vmem>>, vector<32x128xf32>
    %get3A_396 = arith.constant 0 : index
    %get3A_397 = arith.constant 12160 : index
    %get3A_398 = vector.load %arg1[%get3A_396, %get3A_397] : memref<32x32768xf32, #tpu.memory_space<vmem>>, vector<32x128xf32>
    %concatenate3A_399 = tpu.concatenate %get3A_389, %get3A_392, %get3A_395, %get3A_398 in 0 : vector<32x128xf32>, vector<32x128xf32>, vector<32x128xf32>, vector<32x128xf32> -> vector<128x128xf32>
    %transpose3A_400 = tpu.transpose %concatenate3A_399, [1, 0] : vector<128x128xf32> -> vector<128x128xf32>
    %swap3A_401 = arith.constant 2944 : index
    %swap3A_402 = arith.constant 0 : index
    %swap3A_403 = vector.load %arg2[%swap3A_401, %swap3A_402] : memref<8192x128xf32, #tpu.memory_space<vmem>>, vector<128x128xf32>
    tpu.vector_store %arg2[%swap3A_401, %swap3A_402], %transpose3A_400 {strides = array<i32>} : memref<8192x128xf32, #tpu.memory_space<vmem>>, vector<128x128xf32>,
    %get3A_404 = arith.constant 0 : index
    %get3A_405 = arith.constant 12288 : index
    %get3A_406 = vector.load %arg1[%get3A_404, %get3A_405] : memref<32x32768xf32, #tpu.memory_space<vmem>>, vector<32x128xf32>
    %get3A_407 = arith.constant 0 : index
    %get3A_408 = arith.constant 12416 : index
    %get3A_409 = vector.load %arg1[%get3A_407, %get3A_408] : memref<32x32768xf32, #tpu.memory_space<vmem>>, vector<32x128xf32>
    %get3A_410 = arith.constant 0 : index
    %get3A_411 = arith.constant 12544 : index
    %get3A_412 = vector.load %arg1[%get3A_410, %get3A_411] : memref<32x32768xf32, #tpu.memory_space<vmem>>, vector<32x128xf32>
    %get3A_413 = arith.constant 0 : index
    %get3A_414 = arith.constant 12672 : index
    %get3A_415 = vector.load %arg1[%get3A_413, %get3A_414] : memref<32x32768xf32, #tpu.memory_space<vmem>>, vector<32x128xf32>
    %concatenate3A_416 = tpu.concatenate %get3A_406, %get3A_409, %get3A_412, %get3A_415 in 0 : vector<32x128xf32>, vector<32x128xf32>, vector<32x128xf32>, vector<32x128xf32> -> vector<128x128xf32>
    %transpose3A_417 = tpu.transpose %concatenate3A_416, [1, 0] : vector<128x128xf32> -> vector<128x128xf32>
    %swap3A_418 = arith.constant 3072 : index
    %swap3A_419 = arith.constant 0 : index
    %swap3A_420 = vector.load %arg2[%swap3A_418, %swap3A_419] : memref<8192x128xf32, #tpu.memory_space<vmem>>, vector<128x128xf32>
    tpu.vector_store %arg2[%swap3A_418, %swap3A_419], %transpose3A_417 {strides = array<i32>} : memref<8192x128xf32, #tpu.memory_space<vmem>>, vector<128x128xf32>,
    %get3A_421 = arith.constant 0 : index
    %get3A_422 = arith.constant 12800 : index
    %get3A_423 = vector.load %arg1[%get3A_421, %get3A_422] : memref<32x32768xf32, #tpu.memory_space<vmem>>, vector<32x128xf32>
    %get3A_424 = arith.constant 0 : index
    %get3A_425 = arith.constant 12928 : index
    %get3A_426 = vector.load %arg1[%get3A_424, %get3A_425] : memref<32x32768xf32, #tpu.memory_space<vmem>>, vector<32x128xf32>
    %get3A_427 = arith.constant 0 : index
    %get3A_428 = arith.constant 13056 : index
    %get3A_429 = vector.load %arg1[%get3A_427, %get3A_428] : memref<32x32768xf32, #tpu.memory_space<vmem>>, vector<32x128xf32>
    %get3A_430 = arith.constant 0 : index
    %get3A_431 = arith.constant 13184 : index
    %get3A_432 = vector.load %arg1[%get3A_430, %get3A_431] : memref<32x32768xf32, #tpu.memory_space<vmem>>, vector<32x128xf32>
    %concatenate3A_433 = tpu.concatenate %get3A_423, %get3A_426, %get3A_429, %get3A_432 in 0 : vector<32x128xf32>, vector<32x128xf32>, vector<32x128xf32>, vector<32x128xf32> -> vector<128x128xf32>
    %transpose3A_434 = tpu.transpose %concatenate3A_433, [1, 0] : vector<128x128xf32> -> vector<128x128xf32>
    %swap3A_435 = arith.constant 3200 : index
    %swap3A_436 = arith.constant 0 : index
    %swap3A_437 = vector.load %arg2[%swap3A_435, %swap3A_436] : memref<8192x128xf32, #tpu.memory_space<vmem>>, vector<128x128xf32>
    tpu.vector_store %arg2[%swap3A_435, %swap3A_436], %transpose3A_434 {strides = array<i32>} : memref<8192x128xf32, #tpu.memory_space<vmem>>, vector<128x128xf32>,
    %get3A_438 = arith.constant 0 : index
    %get3A_439 = arith.constant 13312 : index
    %get3A_440 = vector.load %arg1[%get3A_438, %get3A_439] : memref<32x32768xf32, #tpu.memory_space<vmem>>, vector<32x128xf32>
    %get3A_441 = arith.constant 0 : index
    %get3A_442 = arith.constant 13440 : index
    %get3A_443 = vector.load %arg1[%get3A_441, %get3A_442] : memref<32x32768xf32, #tpu.memory_space<vmem>>, vector<32x128xf32>
    %get3A_444 = arith.constant 0 : index
    %get3A_445 = arith.constant 13568 : index
    %get3A_446 = vector.load %arg1[%get3A_444, %get3A_445] : memref<32x32768xf32, #tpu.memory_space<vmem>>, vector<32x128xf32>
    %get3A_447 = arith.constant 0 : index
    %get3A_448 = arith.constant 13696 : index
    %get3A_449 = vector.load %arg1[%get3A_447, %get3A_448] : memref<32x32768xf32, #tpu.memory_space<vmem>>, vector<32x128xf32>
    %concatenate3A_450 = tpu.concatenate %get3A_440, %get3A_443, %get3A_446, %get3A_449 in 0 : vector<32x128xf32>, vector<32x128xf32>, vector<32x128xf32>, vector<32x128xf32> -> vector<128x128xf32>
    %transpose3A_451 = tpu.transpose %concatenate3A_450, [1, 0] : vector<128x128xf32> -> vector<128x128xf32>
    %swap3A_452 = arith.constant 3328 : index
    %swap3A_453 = arith.constant 0 : index
    %swap3A_454 = vector.load %arg2[%swap3A_452, %swap3A_453] : memref<8192x128xf32, #tpu.memory_space<vmem>>, vector<128x128xf32>
    tpu.vector_store %arg2[%swap3A_452, %swap3A_453], %transpose3A_451 {strides = array<i32>} : memref<8192x128xf32, #tpu.memory_space<vmem>>, vector<128x128xf32>,
    %get3A_455 = arith.constant 0 : index
    %get3A_456 = arith.constant 13824 : index
    %get3A_457 = vector.load %arg1[%get3A_455, %get3A_456] : memref<32x32768xf32, #tpu.memory_space<vmem>>, vector<32x128xf32>
    %get3A_458 = arith.constant 0 : index
    %get3A_459 = arith.constant 13952 : index
    %get3A_460 = vector.load %arg1[%get3A_458, %get3A_459] : memref<32x32768xf32, #tpu.memory_space<vmem>>, vector<32x128xf32>
    %get3A_461 = arith.constant 0 : index
    %get3A_462 = arith.constant 14080 : index
    %get3A_463 = vector.load %arg1[%get3A_461, %get3A_462] : memref<32x32768xf32, #tpu.memory_space<vmem>>, vector<32x128xf32>
    %get3A_464 = arith.constant 0 : index
    %get3A_465 = arith.constant 14208 : index
    %get3A_466 = vector.load %arg1[%get3A_464, %get3A_465] : memref<32x32768xf32, #tpu.memory_space<vmem>>, vector<32x128xf32>
    %concatenate3A_467 = tpu.concatenate %get3A_457, %get3A_460, %get3A_463, %get3A_466 in 0 : vector<32x128xf32>, vector<32x128xf32>, vector<32x128xf32>, vector<32x128xf32> -> vector<128x128xf32>
    %transpose3A_468 = tpu.transpose %concatenate3A_467, [1, 0] : vector<128x128xf32> -> vector<128x128xf32>
    %swap3A_469 = arith.constant 3456 : index
    %swap3A_470 = arith.constant 0 : index
    %swap3A_471 = vector.load %arg2[%swap3A_469, %swap3A_470] : memref<8192x128xf32, #tpu.memory_space<vmem>>, vector<128x128xf32>
    tpu.vector_store %arg2[%swap3A_469, %swap3A_470], %transpose3A_468 {strides = array<i32>} : memref<8192x128xf32, #tpu.memory_space<vmem>>, vector<128x128xf32>,
    %get3A_472 = arith.constant 0 : index
    %get3A_473 = arith.constant 14336 : index
    %get3A_474 = vector.load %arg1[%get3A_472, %get3A_473] : memref<32x32768xf32, #tpu.memory_space<vmem>>, vector<32x128xf32>
    %get3A_475 = arith.constant 0 : index
    %get3A_476 = arith.constant 14464 : index
    %get3A_477 = vector.load %arg1[%get3A_475, %get3A_476] : memref<32x32768xf32, #tpu.memory_space<vmem>>, vector<32x128xf32>
    %get3A_478 = arith.constant 0 : index
    %get3A_479 = arith.constant 14592 : index
    %get3A_480 = vector.load %arg1[%get3A_478, %get3A_479] : memref<32x32768xf32, #tpu.memory_space<vmem>>, vector<32x128xf32>
    %get3A_481 = arith.constant 0 : index
    %get3A_482 = arith.constant 14720 : index
    %get3A_483 = vector.load %arg1[%get3A_481, %get3A_482] : memref<32x32768xf32, #tpu.memory_space<vmem>>, vector<32x128xf32>
    %concatenate3A_484 = tpu.concatenate %get3A_474, %get3A_477, %get3A_480, %get3A_483 in 0 : vector<32x128xf32>, vector<32x128xf32>, vector<32x128xf32>, vector<32x128xf32> -> vector<128x128xf32>
    %transpose3A_485 = tpu.transpose %concatenate3A_484, [1, 0] : vector<128x128xf32> -> vector<128x128xf32>
    %swap3A_486 = arith.constant 3584 : index
    %swap3A_487 = arith.constant 0 : index
    %swap3A_488 = vector.load %arg2[%swap3A_486, %swap3A_487] : memref<8192x128xf32, #tpu.memory_space<vmem>>, vector<128x128xf32>
    tpu.vector_store %arg2[%swap3A_486, %swap3A_487], %transpose3A_485 {strides = array<i32>} : memref<8192x128xf32, #tpu.memory_space<vmem>>, vector<128x128xf32>,
    %get3A_489 = arith.constant 0 : index
    %get3A_490 = arith.constant 14848 : index
    %get3A_491 = vector.load %arg1[%get3A_489, %get3A_490] : memref<32x32768xf32, #tpu.memory_space<vmem>>, vector<32x128xf32>
    %get3A_492 = arith.constant 0 : index
    %get3A_493 = arith.constant 14976 : index
    %get3A_494 = vector.load %arg1[%get3A_492, %get3A_493] : memref<32x32768xf32, #tpu.memory_space<vmem>>, vector<32x128xf32>
    %get3A_495 = arith.constant 0 : index
    %get3A_496 = arith.constant 15104 : index
    %get3A_497 = vector.load %arg1[%get3A_495, %get3A_496] : memref<32x32768xf32, #tpu.memory_space<vmem>>, vector<32x128xf32>
    %get3A_498 = arith.constant 0 : index
    %get3A_499 = arith.constant 15232 : index
    %get3A_500 = vector.load %arg1[%get3A_498, %get3A_499] : memref<32x32768xf32, #tpu.memory_space<vmem>>, vector<32x128xf32>
    %concatenate3A_501 = tpu.concatenate %get3A_491, %get3A_494, %get3A_497, %get3A_500 in 0 : vector<32x128xf32>, vector<32x128xf32>, vector<32x128xf32>, vector<32x128xf32> -> vector<128x128xf32>
    %transpose3A_502 = tpu.transpose %concatenate3A_501, [1, 0] : vector<128x128xf32> -> vector<128x128xf32>
    %swap3A_503 = arith.constant 3712 : index
    %swap3A_504 = arith.constant 0 : index
    %swap3A_505 = vector.load %arg2[%swap3A_503, %swap3A_504] : memref<8192x128xf32, #tpu.memory_space<vmem>>, vector<128x128xf32>
    tpu.vector_store %arg2[%swap3A_503, %swap3A_504], %transpose3A_502 {strides = array<i32>} : memref<8192x128xf32, #tpu.memory_space<vmem>>, vector<128x128xf32>,
    %get3A_506 = arith.constant 0 : index
    %get3A_507 = arith.constant 15360 : index
    %get3A_508 = vector.load %arg1[%get3A_506, %get3A_507] : memref<32x32768xf32, #tpu.memory_space<vmem>>, vector<32x128xf32>
    %get3A_509 = arith.constant 0 : index
    %get3A_510 = arith.constant 15488 : index
    %get3A_511 = vector.load %arg1[%get3A_509, %get3A_510] : memref<32x32768xf32, #tpu.memory_space<vmem>>, vector<32x128xf32>
    %get3A_512 = arith.constant 0 : index
    %get3A_513 = arith.constant 15616 : index
    %get3A_514 = vector.load %arg1[%get3A_512, %get3A_513] : memref<32x32768xf32, #tpu.memory_space<vmem>>, vector<32x128xf32>
    %get3A_515 = arith.constant 0 : index
    %get3A_516 = arith.constant 15744 : index
    %get3A_517 = vector.load %arg1[%get3A_515, %get3A_516] : memref<32x32768xf32, #tpu.memory_space<vmem>>, vector<32x128xf32>
    %concatenate3A_518 = tpu.concatenate %get3A_508, %get3A_511, %get3A_514, %get3A_517 in 0 : vector<32x128xf32>, vector<32x128xf32>, vector<32x128xf32>, vector<32x128xf32> -> vector<128x128xf32>
    %transpose3A_519 = tpu.transpose %concatenate3A_518, [1, 0] : vector<128x128xf32> -> vector<128x128xf32>
    %swap3A_520 = arith.constant 3840 : index
    %swap3A_521 = arith.constant 0 : index
    %swap3A_522 = vector.load %arg2[%swap3A_520, %swap3A_521] : memref<8192x128xf32, #tpu.memory_space<vmem>>, vector<128x128xf32>
    tpu.vector_store %arg2[%swap3A_520, %swap3A_521], %transpose3A_519 {strides = array<i32>} : memref<8192x128xf32, #tpu.memory_space<vmem>>, vector<128x128xf32>,
    %get3A_523 = arith.constant 0 : index
    %get3A_524 = arith.constant 15872 : index
    %get3A_525 = vector.load %arg1[%get3A_523, %get3A_524] : memref<32x32768xf32, #tpu.memory_space<vmem>>, vector<32x128xf32>
    %get3A_526 = arith.constant 0 : index
    %get3A_527 = arith.constant 16000 : index
    %get3A_528 = vector.load %arg1[%get3A_526, %get3A_527] : memref<32x32768xf32, #tpu.memory_space<vmem>>, vector<32x128xf32>
    %get3A_529 = arith.constant 0 : index
    %get3A_530 = arith.constant 16128 : index
    %get3A_531 = vector.load %arg1[%get3A_529, %get3A_530] : memref<32x32768xf32, #tpu.memory_space<vmem>>, vector<32x128xf32>
    %get3A_532 = arith.constant 0 : index
    %get3A_533 = arith.constant 16256 : index
    %get3A_534 = vector.load %arg1[%get3A_532, %get3A_533] : memref<32x32768xf32, #tpu.memory_space<vmem>>, vector<32x128xf32>
    %concatenate3A_535 = tpu.concatenate %get3A_525, %get3A_528, %get3A_531, %get3A_534 in 0 : vector<32x128xf32>, vector<32x128xf32>, vector<32x128xf32>, vector<32x128xf32> -> vector<128x128xf32>
    %transpose3A_536 = tpu.transpose %concatenate3A_535, [1, 0] : vector<128x128xf32> -> vector<128x128xf32>
    %swap3A_537 = arith.constant 3968 : index
    %swap3A_538 = arith.constant 0 : index
    %swap3A_539 = vector.load %arg2[%swap3A_537, %swap3A_538] : memref<8192x128xf32, #tpu.memory_space<vmem>>, vector<128x128xf32>
    tpu.vector_store %arg2[%swap3A_537, %swap3A_538], %transpose3A_536 {strides = array<i32>} : memref<8192x128xf32, #tpu.memory_space<vmem>>, vector<128x128xf32>,
    %get3A_540 = arith.constant 0 : index
    %get3A_541 = arith.constant 16384 : index
    %get3A_542 = vector.load %arg1[%get3A_540, %get3A_541] : memref<32x32768xf32, #tpu.memory_space<vmem>>, vector<32x128xf32>
    %get3A_543 = arith.constant 0 : index
    %get3A_544 = arith.constant 16512 : index
    %get3A_545 = vector.load %arg1[%get3A_543, %get3A_544] : memref<32x32768xf32, #tpu.memory_space<vmem>>, vector<32x128xf32>
    %get3A_546 = arith.constant 0 : index
    %get3A_547 = arith.constant 16640 : index
    %get3A_548 = vector.load %arg1[%get3A_546, %get3A_547] : memref<32x32768xf32, #tpu.memory_space<vmem>>, vector<32x128xf32>
    %get3A_549 = arith.constant 0 : index
    %get3A_550 = arith.constant 16768 : index
    %get3A_551 = vector.load %arg1[%get3A_549, %get3A_550] : memref<32x32768xf32, #tpu.memory_space<vmem>>, vector<32x128xf32>
    %concatenate3A_552 = tpu.concatenate %get3A_542, %get3A_545, %get3A_548, %get3A_551 in 0 : vector<32x128xf32>, vector<32x128xf32>, vector<32x128xf32>, vector<32x128xf32> -> vector<128x128xf32>
    %transpose3A_553 = tpu.transpose %concatenate3A_552, [1, 0] : vector<128x128xf32> -> vector<128x128xf32>
    %swap3A_554 = arith.constant 4096 : index
    %swap3A_555 = arith.constant 0 : index
    %swap3A_556 = vector.load %arg2[%swap3A_554, %swap3A_555] : memref<8192x128xf32, #tpu.memory_space<vmem>>, vector<128x128xf32>
    tpu.vector_store %arg2[%swap3A_554, %swap3A_555], %transpose3A_553 {strides = array<i32>} : memref<8192x128xf32, #tpu.memory_space<vmem>>, vector<128x128xf32>,
    %get3A_557 = arith.constant 0 : index
    %get3A_558 = arith.constant 16896 : index
    %get3A_559 = vector.load %arg1[%get3A_557, %get3A_558] : memref<32x32768xf32, #tpu.memory_space<vmem>>, vector<32x128xf32>
    %get3A_560 = arith.constant 0 : index
    %get3A_561 = arith.constant 17024 : index
    %get3A_562 = vector.load %arg1[%get3A_560, %get3A_561] : memref<32x32768xf32, #tpu.memory_space<vmem>>, vector<32x128xf32>
    %get3A_563 = arith.constant 0 : index
    %get3A_564 = arith.constant 17152 : index
    %get3A_565 = vector.load %arg1[%get3A_563, %get3A_564] : memref<32x32768xf32, #tpu.memory_space<vmem>>, vector<32x128xf32>
    %get3A_566 = arith.constant 0 : index
    %get3A_567 = arith.constant 17280 : index
    %get3A_568 = vector.load %arg1[%get3A_566, %get3A_567] : memref<32x32768xf32, #tpu.memory_space<vmem>>, vector<32x128xf32>
    %concatenate3A_569 = tpu.concatenate %get3A_559, %get3A_562, %get3A_565, %get3A_568 in 0 : vector<32x128xf32>, vector<32x128xf32>, vector<32x128xf32>, vector<32x128xf32> -> vector<128x128xf32>
    %transpose3A_570 = tpu.transpose %concatenate3A_569, [1, 0] : vector<128x128xf32> -> vector<128x128xf32>
    %swap3A_571 = arith.constant 4224 : index
    %swap3A_572 = arith.constant 0 : index
    %swap3A_573 = vector.load %arg2[%swap3A_571, %swap3A_572] : memref<8192x128xf32, #tpu.memory_space<vmem>>, vector<128x128xf32>
    tpu.vector_store %arg2[%swap3A_571, %swap3A_572], %transpose3A_570 {strides = array<i32>} : memref<8192x128xf32, #tpu.memory_space<vmem>>, vector<128x128xf32>,
    %get3A_574 = arith.constant 0 : index
    %get3A_575 = arith.constant 17408 : index
    %get3A_576 = vector.load %arg1[%get3A_574, %get3A_575] : memref<32x32768xf32, #tpu.memory_space<vmem>>, vector<32x128xf32>
    %get3A_577 = arith.constant 0 : index
    %get3A_578 = arith.constant 17536 : index
    %get3A_579 = vector.load %arg1[%get3A_577, %get3A_578] : memref<32x32768xf32, #tpu.memory_space<vmem>>, vector<32x128xf32>
    %get3A_580 = arith.constant 0 : index
    %get3A_581 = arith.constant 17664 : index
    %get3A_582 = vector.load %arg1[%get3A_580, %get3A_581] : memref<32x32768xf32, #tpu.memory_space<vmem>>, vector<32x128xf32>
    %get3A_583 = arith.constant 0 : index
    %get3A_584 = arith.constant 17792 : index
    %get3A_585 = vector.load %arg1[%get3A_583, %get3A_584] : memref<32x32768xf32, #tpu.memory_space<vmem>>, vector<32x128xf32>
    %concatenate3A_586 = tpu.concatenate %get3A_576, %get3A_579, %get3A_582, %get3A_585 in 0 : vector<32x128xf32>, vector<32x128xf32>, vector<32x128xf32>, vector<32x128xf32> -> vector<128x128xf32>
    %transpose3A_587 = tpu.transpose %concatenate3A_586, [1, 0] : vector<128x128xf32> -> vector<128x128xf32>
    %swap3A_588 = arith.constant 4352 : index
    %swap3A_589 = arith.constant 0 : index
    %swap3A_590 = vector.load %arg2[%swap3A_588, %swap3A_589] : memref<8192x128xf32, #tpu.memory_space<vmem>>, vector<128x128xf32>
    tpu.vector_store %arg2[%swap3A_588, %swap3A_589], %transpose3A_587 {strides = array<i32>} : memref<8192x128xf32, #tpu.memory_space<vmem>>, vector<128x128xf32>,
    %get3A_591 = arith.constant 0 : index
    %get3A_592 = arith.constant 17920 : index
    %get3A_593 = vector.load %arg1[%get3A_591, %get3A_592] : memref<32x32768xf32, #tpu.memory_space<vmem>>, vector<32x128xf32>
    %get3A_594 = arith.constant 0 : index
    %get3A_595 = arith.constant 18048 : index
    %get3A_596 = vector.load %arg1[%get3A_594, %get3A_595] : memref<32x32768xf32, #tpu.memory_space<vmem>>, vector<32x128xf32>
    %get3A_597 = arith.constant 0 : index
    %get3A_598 = arith.constant 18176 : index
    %get3A_599 = vector.load %arg1[%get3A_597, %get3A_598] : memref<32x32768xf32, #tpu.memory_space<vmem>>, vector<32x128xf32>
    %get3A_600 = arith.constant 0 : index
    %get3A_601 = arith.constant 18304 : index
    %get3A_602 = vector.load %arg1[%get3A_600, %get3A_601] : memref<32x32768xf32, #tpu.memory_space<vmem>>, vector<32x128xf32>
    %concatenate3A_603 = tpu.concatenate %get3A_593, %get3A_596, %get3A_599, %get3A_602 in 0 : vector<32x128xf32>, vector<32x128xf32>, vector<32x128xf32>, vector<32x128xf32> -> vector<128x128xf32>
    %transpose3A_604 = tpu.transpose %concatenate3A_603, [1, 0] : vector<128x128xf32> -> vector<128x128xf32>
    %swap3A_605 = arith.constant 4480 : index
    %swap3A_606 = arith.constant 0 : index
    %swap3A_607 = vector.load %arg2[%swap3A_605, %swap3A_606] : memref<8192x128xf32, #tpu.memory_space<vmem>>, vector<128x128xf32>
    tpu.vector_store %arg2[%swap3A_605, %swap3A_606], %transpose3A_604 {strides = array<i32>} : memref<8192x128xf32, #tpu.memory_space<vmem>>, vector<128x128xf32>,
    %get3A_608 = arith.constant 0 : index
    %get3A_609 = arith.constant 18432 : index
    %get3A_610 = vector.load %arg1[%get3A_608, %get3A_609] : memref<32x32768xf32, #tpu.memory_space<vmem>>, vector<32x128xf32>
    %get3A_611 = arith.constant 0 : index
    %get3A_612 = arith.constant 18560 : index
    %get3A_613 = vector.load %arg1[%get3A_611, %get3A_612] : memref<32x32768xf32, #tpu.memory_space<vmem>>, vector<32x128xf32>
    %get3A_614 = arith.constant 0 : index
    %get3A_615 = arith.constant 18688 : index
    %get3A_616 = vector.load %arg1[%get3A_614, %get3A_615] : memref<32x32768xf32, #tpu.memory_space<vmem>>, vector<32x128xf32>
    %get3A_617 = arith.constant 0 : index
    %get3A_618 = arith.constant 18816 : index
    %get3A_619 = vector.load %arg1[%get3A_617, %get3A_618] : memref<32x32768xf32, #tpu.memory_space<vmem>>, vector<32x128xf32>
    %concatenate3A_620 = tpu.concatenate %get3A_610, %get3A_613, %get3A_616, %get3A_619 in 0 : vector<32x128xf32>, vector<32x128xf32>, vector<32x128xf32>, vector<32x128xf32> -> vector<128x128xf32>
    %transpose3A_621 = tpu.transpose %concatenate3A_620, [1, 0] : vector<128x128xf32> -> vector<128x128xf32>
    %swap3A_622 = arith.constant 4608 : index
    %swap3A_623 = arith.constant 0 : index
    %swap3A_624 = vector.load %arg2[%swap3A_622, %swap3A_623] : memref<8192x128xf32, #tpu.memory_space<vmem>>, vector<128x128xf32>
    tpu.vector_store %arg2[%swap3A_622, %swap3A_623], %transpose3A_621 {strides = array<i32>} : memref<8192x128xf32, #tpu.memory_space<vmem>>, vector<128x128xf32>,
    %get3A_625 = arith.constant 0 : index
    %get3A_626 = arith.constant 18944 : index
    %get3A_627 = vector.load %arg1[%get3A_625, %get3A_626] : memref<32x32768xf32, #tpu.memory_space<vmem>>, vector<32x128xf32>
    %get3A_628 = arith.constant 0 : index
    %get3A_629 = arith.constant 19072 : index
    %get3A_630 = vector.load %arg1[%get3A_628, %get3A_629] : memref<32x32768xf32, #tpu.memory_space<vmem>>, vector<32x128xf32>
    %get3A_631 = arith.constant 0 : index
    %get3A_632 = arith.constant 19200 : index
    %get3A_633 = vector.load %arg1[%get3A_631, %get3A_632] : memref<32x32768xf32, #tpu.memory_space<vmem>>, vector<32x128xf32>
    %get3A_634 = arith.constant 0 : index
    %get3A_635 = arith.constant 19328 : index
    %get3A_636 = vector.load %arg1[%get3A_634, %get3A_635] : memref<32x32768xf32, #tpu.memory_space<vmem>>, vector<32x128xf32>
    %concatenate3A_637 = tpu.concatenate %get3A_627, %get3A_630, %get3A_633, %get3A_636 in 0 : vector<32x128xf32>, vector<32x128xf32>, vector<32x128xf32>, vector<32x128xf32> -> vector<128x128xf32>
    %transpose3A_638 = tpu.transpose %concatenate3A_637, [1, 0] : vector<128x128xf32> -> vector<128x128xf32>
    %swap3A_639 = arith.constant 4736 : index
    %swap3A_640 = arith.constant 0 : index
    %swap3A_641 = vector.load %arg2[%swap3A_639, %swap3A_640] : memref<8192x128xf32, #tpu.memory_space<vmem>>, vector<128x128xf32>
    tpu.vector_store %arg2[%swap3A_639, %swap3A_640], %transpose3A_638 {strides = array<i32>} : memref<8192x128xf32, #tpu.memory_space<vmem>>, vector<128x128xf32>,
    %get3A_642 = arith.constant 0 : index
    %get3A_643 = arith.constant 19456 : index
    %get3A_644 = vector.load %arg1[%get3A_642, %get3A_643] : memref<32x32768xf32, #tpu.memory_space<vmem>>, vector<32x128xf32>
    %get3A_645 = arith.constant 0 : index
    %get3A_646 = arith.constant 19584 : index
    %get3A_647 = vector.load %arg1[%get3A_645, %get3A_646] : memref<32x32768xf32, #tpu.memory_space<vmem>>, vector<32x128xf32>
    %get3A_648 = arith.constant 0 : index
    %get3A_649 = arith.constant 19712 : index
    %get3A_650 = vector.load %arg1[%get3A_648, %get3A_649] : memref<32x32768xf32, #tpu.memory_space<vmem>>, vector<32x128xf32>
    %get3A_651 = arith.constant 0 : index
    %get3A_652 = arith.constant 19840 : index
    %get3A_653 = vector.load %arg1[%get3A_651, %get3A_652] : memref<32x32768xf32, #tpu.memory_space<vmem>>, vector<32x128xf32>
    %concatenate3A_654 = tpu.concatenate %get3A_644, %get3A_647, %get3A_650, %get3A_653 in 0 : vector<32x128xf32>, vector<32x128xf32>, vector<32x128xf32>, vector<32x128xf32> -> vector<128x128xf32>
    %transpose3A_655 = tpu.transpose %concatenate3A_654, [1, 0] : vector<128x128xf32> -> vector<128x128xf32>
    %swap3A_656 = arith.constant 4864 : index
    %swap3A_657 = arith.constant 0 : index
    %swap3A_658 = vector.load %arg2[%swap3A_656, %swap3A_657] : memref<8192x128xf32, #tpu.memory_space<vmem>>, vector<128x128xf32>
    tpu.vector_store %arg2[%swap3A_656, %swap3A_657], %transpose3A_655 {strides = array<i32>} : memref<8192x128xf32, #tpu.memory_space<vmem>>, vector<128x128xf32>,
    %get3A_659 = arith.constant 0 : index
    %get3A_660 = arith.constant 19968 : index
    %get3A_661 = vector.load %arg1[%get3A_659, %get3A_660] : memref<32x32768xf32, #tpu.memory_space<vmem>>, vector<32x128xf32>
    %get3A_662 = arith.constant 0 : index
    %get3A_663 = arith.constant 20096 : index
    %get3A_664 = vector.load %arg1[%get3A_662, %get3A_663] : memref<32x32768xf32, #tpu.memory_space<vmem>>, vector<32x128xf32>
    %get3A_665 = arith.constant 0 : index
    %get3A_666 = arith.constant 20224 : index
    %get3A_667 = vector.load %arg1[%get3A_665, %get3A_666] : memref<32x32768xf32, #tpu.memory_space<vmem>>, vector<32x128xf32>
    %get3A_668 = arith.constant 0 : index
    %get3A_669 = arith.constant 20352 : index
    %get3A_670 = vector.load %arg1[%get3A_668, %get3A_669] : memref<32x32768xf32, #tpu.memory_space<vmem>>, vector<32x128xf32>
    %concatenate3A_671 = tpu.concatenate %get3A_661, %get3A_664, %get3A_667, %get3A_670 in 0 : vector<32x128xf32>, vector<32x128xf32>, vector<32x128xf32>, vector<32x128xf32> -> vector<128x128xf32>
    %transpose3A_672 = tpu.transpose %concatenate3A_671, [1, 0] : vector<128x128xf32> -> vector<128x128xf32>
    %swap3A_673 = arith.constant 4992 : index
    %swap3A_674 = arith.constant 0 : index
    %swap3A_675 = vector.load %arg2[%swap3A_673, %swap3A_674] : memref<8192x128xf32, #tpu.memory_space<vmem>>, vector<128x128xf32>
    tpu.vector_store %arg2[%swap3A_673, %swap3A_674], %transpose3A_672 {strides = array<i32>} : memref<8192x128xf32, #tpu.memory_space<vmem>>, vector<128x128xf32>,
    %get3A_676 = arith.constant 0 : index
    %get3A_677 = arith.constant 20480 : index
    %get3A_678 = vector.load %arg1[%get3A_676, %get3A_677] : memref<32x32768xf32, #tpu.memory_space<vmem>>, vector<32x128xf32>
    %get3A_679 = arith.constant 0 : index
    %get3A_680 = arith.constant 20608 : index
    %get3A_681 = vector.load %arg1[%get3A_679, %get3A_680] : memref<32x32768xf32, #tpu.memory_space<vmem>>, vector<32x128xf32>
    %get3A_682 = arith.constant 0 : index
    %get3A_683 = arith.constant 20736 : index
    %get3A_684 = vector.load %arg1[%get3A_682, %get3A_683] : memref<32x32768xf32, #tpu.memory_space<vmem>>, vector<32x128xf32>
    %get3A_685 = arith.constant 0 : index
    %get3A_686 = arith.constant 20864 : index
    %get3A_687 = vector.load %arg1[%get3A_685, %get3A_686] : memref<32x32768xf32, #tpu.memory_space<vmem>>, vector<32x128xf32>
    %concatenate3A_688 = tpu.concatenate %get3A_678, %get3A_681, %get3A_684, %get3A_687 in 0 : vector<32x128xf32>, vector<32x128xf32>, vector<32x128xf32>, vector<32x128xf32> -> vector<128x128xf32>
    %transpose3A_689 = tpu.transpose %concatenate3A_688, [1, 0] : vector<128x128xf32> -> vector<128x128xf32>
    %swap3A_690 = arith.constant 5120 : index
    %swap3A_691 = arith.constant 0 : index
    %swap3A_692 = vector.load %arg2[%swap3A_690, %swap3A_691] : memref<8192x128xf32, #tpu.memory_space<vmem>>, vector<128x128xf32>
    tpu.vector_store %arg2[%swap3A_690, %swap3A_691], %transpose3A_689 {strides = array<i32>} : memref<8192x128xf32, #tpu.memory_space<vmem>>, vector<128x128xf32>,
    %get3A_693 = arith.constant 0 : index
    %get3A_694 = arith.constant 20992 : index
    %get3A_695 = vector.load %arg1[%get3A_693, %get3A_694] : memref<32x32768xf32, #tpu.memory_space<vmem>>, vector<32x128xf32>
    %get3A_696 = arith.constant 0 : index
    %get3A_697 = arith.constant 21120 : index
    %get3A_698 = vector.load %arg1[%get3A_696, %get3A_697] : memref<32x32768xf32, #tpu.memory_space<vmem>>, vector<32x128xf32>
    %get3A_699 = arith.constant 0 : index
    %get3A_700 = arith.constant 21248 : index
    %get3A_701 = vector.load %arg1[%get3A_699, %get3A_700] : memref<32x32768xf32, #tpu.memory_space<vmem>>, vector<32x128xf32>
    %get3A_702 = arith.constant 0 : index
    %get3A_703 = arith.constant 21376 : index
    %get3A_704 = vector.load %arg1[%get3A_702, %get3A_703] : memref<32x32768xf32, #tpu.memory_space<vmem>>, vector<32x128xf32>
    %concatenate3A_705 = tpu.concatenate %get3A_695, %get3A_698, %get3A_701, %get3A_704 in 0 : vector<32x128xf32>, vector<32x128xf32>, vector<32x128xf32>, vector<32x128xf32> -> vector<128x128xf32>
    %transpose3A_706 = tpu.transpose %concatenate3A_705, [1, 0] : vector<128x128xf32> -> vector<128x128xf32>
    %swap3A_707 = arith.constant 5248 : index
    %swap3A_708 = arith.constant 0 : index
    %swap3A_709 = vector.load %arg2[%swap3A_707, %swap3A_708] : memref<8192x128xf32, #tpu.memory_space<vmem>>, vector<128x128xf32>
    tpu.vector_store %arg2[%swap3A_707, %swap3A_708], %transpose3A_706 {strides = array<i32>} : memref<8192x128xf32, #tpu.memory_space<vmem>>, vector<128x128xf32>,
    %get3A_710 = arith.constant 0 : index
    %get3A_711 = arith.constant 21504 : index
    %get3A_712 = vector.load %arg1[%get3A_710, %get3A_711] : memref<32x32768xf32, #tpu.memory_space<vmem>>, vector<32x128xf32>
    %get3A_713 = arith.constant 0 : index
    %get3A_714 = arith.constant 21632 : index
    %get3A_715 = vector.load %arg1[%get3A_713, %get3A_714] : memref<32x32768xf32, #tpu.memory_space<vmem>>, vector<32x128xf32>
    %get3A_716 = arith.constant 0 : index
    %get3A_717 = arith.constant 21760 : index
    %get3A_718 = vector.load %arg1[%get3A_716, %get3A_717] : memref<32x32768xf32, #tpu.memory_space<vmem>>, vector<32x128xf32>
    %get3A_719 = arith.constant 0 : index
    %get3A_720 = arith.constant 21888 : index
    %get3A_721 = vector.load %arg1[%get3A_719, %get3A_720] : memref<32x32768xf32, #tpu.memory_space<vmem>>, vector<32x128xf32>
    %concatenate3A_722 = tpu.concatenate %get3A_712, %get3A_715, %get3A_718, %get3A_721 in 0 : vector<32x128xf32>, vector<32x128xf32>, vector<32x128xf32>, vector<32x128xf32> -> vector<128x128xf32>
    %transpose3A_723 = tpu.transpose %concatenate3A_722, [1, 0] : vector<128x128xf32> -> vector<128x128xf32>
    %swap3A_724 = arith.constant 5376 : index
    %swap3A_725 = arith.constant 0 : index
    %swap3A_726 = vector.load %arg2[%swap3A_724, %swap3A_725] : memref<8192x128xf32, #tpu.memory_space<vmem>>, vector<128x128xf32>
    tpu.vector_store %arg2[%swap3A_724, %swap3A_725], %transpose3A_723 {strides = array<i32>} : memref<8192x128xf32, #tpu.memory_space<vmem>>, vector<128x128xf32>,
    %get3A_727 = arith.constant 0 : index
    %get3A_728 = arith.constant 22016 : index
    %get3A_729 = vector.load %arg1[%get3A_727, %get3A_728] : memref<32x32768xf32, #tpu.memory_space<vmem>>, vector<32x128xf32>
    %get3A_730 = arith.constant 0 : index
    %get3A_731 = arith.constant 22144 : index
    %get3A_732 = vector.load %arg1[%get3A_730, %get3A_731] : memref<32x32768xf32, #tpu.memory_space<vmem>>, vector<32x128xf32>
    %get3A_733 = arith.constant 0 : index
    %get3A_734 = arith.constant 22272 : index
    %get3A_735 = vector.load %arg1[%get3A_733, %get3A_734] : memref<32x32768xf32, #tpu.memory_space<vmem>>, vector<32x128xf32>
    %get3A_736 = arith.constant 0 : index
    %get3A_737 = arith.constant 22400 : index
    %get3A_738 = vector.load %arg1[%get3A_736, %get3A_737] : memref<32x32768xf32, #tpu.memory_space<vmem>>, vector<32x128xf32>
    %concatenate3A_739 = tpu.concatenate %get3A_729, %get3A_732, %get3A_735, %get3A_738 in 0 : vector<32x128xf32>, vector<32x128xf32>, vector<32x128xf32>, vector<32x128xf32> -> vector<128x128xf32>
    %transpose3A_740 = tpu.transpose %concatenate3A_739, [1, 0] : vector<128x128xf32> -> vector<128x128xf32>
    %swap3A_741 = arith.constant 5504 : index
    %swap3A_742 = arith.constant 0 : index
    %swap3A_743 = vector.load %arg2[%swap3A_741, %swap3A_742] : memref<8192x128xf32, #tpu.memory_space<vmem>>, vector<128x128xf32>
    tpu.vector_store %arg2[%swap3A_741, %swap3A_742], %transpose3A_740 {strides = array<i32>} : memref<8192x128xf32, #tpu.memory_space<vmem>>, vector<128x128xf32>,
    %get3A_744 = arith.constant 0 : index
    %get3A_745 = arith.constant 22528 : index
    %get3A_746 = vector.load %arg1[%get3A_744, %get3A_745] : memref<32x32768xf32, #tpu.memory_space<vmem>>, vector<32x128xf32>
    %get3A_747 = arith.constant 0 : index
    %get3A_748 = arith.constant 22656 : index
    %get3A_749 = vector.load %arg1[%get3A_747, %get3A_748] : memref<32x32768xf32, #tpu.memory_space<vmem>>, vector<32x128xf32>
    %get3A_750 = arith.constant 0 : index
    %get3A_751 = arith.constant 22784 : index
    %get3A_752 = vector.load %arg1[%get3A_750, %get3A_751] : memref<32x32768xf32, #tpu.memory_space<vmem>>, vector<32x128xf32>
    %get3A_753 = arith.constant 0 : index
    %get3A_754 = arith.constant 22912 : index
    %get3A_755 = vector.load %arg1[%get3A_753, %get3A_754] : memref<32x32768xf32, #tpu.memory_space<vmem>>, vector<32x128xf32>
    %concatenate3A_756 = tpu.concatenate %get3A_746, %get3A_749, %get3A_752, %get3A_755 in 0 : vector<32x128xf32>, vector<32x128xf32>, vector<32x128xf32>, vector<32x128xf32> -> vector<128x128xf32>
    %transpose3A_757 = tpu.transpose %concatenate3A_756, [1, 0] : vector<128x128xf32> -> vector<128x128xf32>
    %swap3A_758 = arith.constant 5632 : index
    %swap3A_759 = arith.constant 0 : index
    %swap3A_760 = vector.load %arg2[%swap3A_758, %swap3A_759] : memref<8192x128xf32, #tpu.memory_space<vmem>>, vector<128x128xf32>
    tpu.vector_store %arg2[%swap3A_758, %swap3A_759], %transpose3A_757 {strides = array<i32>} : memref<8192x128xf32, #tpu.memory_space<vmem>>, vector<128x128xf32>,
    %get3A_761 = arith.constant 0 : index
    %get3A_762 = arith.constant 23040 : index
    %get3A_763 = vector.load %arg1[%get3A_761, %get3A_762] : memref<32x32768xf32, #tpu.memory_space<vmem>>, vector<32x128xf32>
    %get3A_764 = arith.constant 0 : index
    %get3A_765 = arith.constant 23168 : index
    %get3A_766 = vector.load %arg1[%get3A_764, %get3A_765] : memref<32x32768xf32, #tpu.memory_space<vmem>>, vector<32x128xf32>
    %get3A_767 = arith.constant 0 : index
    %get3A_768 = arith.constant 23296 : index
    %get3A_769 = vector.load %arg1[%get3A_767, %get3A_768] : memref<32x32768xf32, #tpu.memory_space<vmem>>, vector<32x128xf32>
    %get3A_770 = arith.constant 0 : index
    %get3A_771 = arith.constant 23424 : index
    %get3A_772 = vector.load %arg1[%get3A_770, %get3A_771] : memref<32x32768xf32, #tpu.memory_space<vmem>>, vector<32x128xf32>
    %concatenate3A_773 = tpu.concatenate %get3A_763, %get3A_766, %get3A_769, %get3A_772 in 0 : vector<32x128xf32>, vector<32x128xf32>, vector<32x128xf32>, vector<32x128xf32> -> vector<128x128xf32>
    %transpose3A_774 = tpu.transpose %concatenate3A_773, [1, 0] : vector<128x128xf32> -> vector<128x128xf32>
    %swap3A_775 = arith.constant 5760 : index
    %swap3A_776 = arith.constant 0 : index
    %swap3A_777 = vector.load %arg2[%swap3A_775, %swap3A_776] : memref<8192x128xf32, #tpu.memory_space<vmem>>, vector<128x128xf32>
    tpu.vector_store %arg2[%swap3A_775, %swap3A_776], %transpose3A_774 {strides = array<i32>} : memref<8192x128xf32, #tpu.memory_space<vmem>>, vector<128x128xf32>,
    %get3A_778 = arith.constant 0 : index
    %get3A_779 = arith.constant 23552 : index
    %get3A_780 = vector.load %arg1[%get3A_778, %get3A_779] : memref<32x32768xf32, #tpu.memory_space<vmem>>, vector<32x128xf32>
    %get3A_781 = arith.constant 0 : index
    %get3A_782 = arith.constant 23680 : index
    %get3A_783 = vector.load %arg1[%get3A_781, %get3A_782] : memref<32x32768xf32, #tpu.memory_space<vmem>>, vector<32x128xf32>
    %get3A_784 = arith.constant 0 : index
    %get3A_785 = arith.constant 23808 : index
    %get3A_786 = vector.load %arg1[%get3A_784, %get3A_785] : memref<32x32768xf32, #tpu.memory_space<vmem>>, vector<32x128xf32>
    %get3A_787 = arith.constant 0 : index
    %get3A_788 = arith.constant 23936 : index
    %get3A_789 = vector.load %arg1[%get3A_787, %get3A_788] : memref<32x32768xf32, #tpu.memory_space<vmem>>, vector<32x128xf32>
    %concatenate3A_790 = tpu.concatenate %get3A_780, %get3A_783, %get3A_786, %get3A_789 in 0 : vector<32x128xf32>, vector<32x128xf32>, vector<32x128xf32>, vector<32x128xf32> -> vector<128x128xf32>
    %transpose3A_791 = tpu.transpose %concatenate3A_790, [1, 0] : vector<128x128xf32> -> vector<128x128xf32>
    %swap3A_792 = arith.constant 5888 : index
    %swap3A_793 = arith.constant 0 : index
    %swap3A_794 = vector.load %arg2[%swap3A_792, %swap3A_793] : memref<8192x128xf32, #tpu.memory_space<vmem>>, vector<128x128xf32>
    tpu.vector_store %arg2[%swap3A_792, %swap3A_793], %transpose3A_791 {strides = array<i32>} : memref<8192x128xf32, #tpu.memory_space<vmem>>, vector<128x128xf32>,
    %get3A_795 = arith.constant 0 : index
    %get3A_796 = arith.constant 24064 : index
    %get3A_797 = vector.load %arg1[%get3A_795, %get3A_796] : memref<32x32768xf32, #tpu.memory_space<vmem>>, vector<32x128xf32>
    %get3A_798 = arith.constant 0 : index
    %get3A_799 = arith.constant 24192 : index
    %get3A_800 = vector.load %arg1[%get3A_798, %get3A_799] : memref<32x32768xf32, #tpu.memory_space<vmem>>, vector<32x128xf32>
    %get3A_801 = arith.constant 0 : index
    %get3A_802 = arith.constant 24320 : index
    %get3A_803 = vector.load %arg1[%get3A_801, %get3A_802] : memref<32x32768xf32, #tpu.memory_space<vmem>>, vector<32x128xf32>
    %get3A_804 = arith.constant 0 : index
    %get3A_805 = arith.constant 24448 : index
    %get3A_806 = vector.load %arg1[%get3A_804, %get3A_805] : memref<32x32768xf32, #tpu.memory_space<vmem>>, vector<32x128xf32>
    %concatenate3A_807 = tpu.concatenate %get3A_797, %get3A_800, %get3A_803, %get3A_806 in 0 : vector<32x128xf32>, vector<32x128xf32>, vector<32x128xf32>, vector<32x128xf32> -> vector<128x128xf32>
    %transpose3A_808 = tpu.transpose %concatenate3A_807, [1, 0] : vector<128x128xf32> -> vector<128x128xf32>
    %swap3A_809 = arith.constant 6016 : index
    %swap3A_810 = arith.constant 0 : index
    %swap3A_811 = vector.load %arg2[%swap3A_809, %swap3A_810] : memref<8192x128xf32, #tpu.memory_space<vmem>>, vector<128x128xf32>
    tpu.vector_store %arg2[%swap3A_809, %swap3A_810], %transpose3A_808 {strides = array<i32>} : memref<8192x128xf32, #tpu.memory_space<vmem>>, vector<128x128xf32>,
    %get3A_812 = arith.constant 0 : index
    %get3A_813 = arith.constant 24576 : index
    %get3A_814 = vector.load %arg1[%get3A_812, %get3A_813] : memref<32x32768xf32, #tpu.memory_space<vmem>>, vector<32x128xf32>
    %get3A_815 = arith.constant 0 : index
    %get3A_816 = arith.constant 24704 : index
    %get3A_817 = vector.load %arg1[%get3A_815, %get3A_816] : memref<32x32768xf32, #tpu.memory_space<vmem>>, vector<32x128xf32>
    %get3A_818 = arith.constant 0 : index
    %get3A_819 = arith.constant 24832 : index
    %get3A_820 = vector.load %arg1[%get3A_818, %get3A_819] : memref<32x32768xf32, #tpu.memory_space<vmem>>, vector<32x128xf32>
    %get3A_821 = arith.constant 0 : index
    %get3A_822 = arith.constant 24960 : index
    %get3A_823 = vector.load %arg1[%get3A_821, %get3A_822] : memref<32x32768xf32, #tpu.memory_space<vmem>>, vector<32x128xf32>
    %concatenate3A_824 = tpu.concatenate %get3A_814, %get3A_817, %get3A_820, %get3A_823 in 0 : vector<32x128xf32>, vector<32x128xf32>, vector<32x128xf32>, vector<32x128xf32> -> vector<128x128xf32>
    %transpose3A_825 = tpu.transpose %concatenate3A_824, [1, 0] : vector<128x128xf32> -> vector<128x128xf32>
    %swap3A_826 = arith.constant 6144 : index
    %swap3A_827 = arith.constant 0 : index
    %swap3A_828 = vector.load %arg2[%swap3A_826, %swap3A_827] : memref<8192x128xf32, #tpu.memory_space<vmem>>, vector<128x128xf32>
    tpu.vector_store %arg2[%swap3A_826, %swap3A_827], %transpose3A_825 {strides = array<i32>} : memref<8192x128xf32, #tpu.memory_space<vmem>>, vector<128x128xf32>,
    %get3A_829 = arith.constant 0 : index
    %get3A_830 = arith.constant 25088 : index
    %get3A_831 = vector.load %arg1[%get3A_829, %get3A_830] : memref<32x32768xf32, #tpu.memory_space<vmem>>, vector<32x128xf32>
    %get3A_832 = arith.constant 0 : index
    %get3A_833 = arith.constant 25216 : index
    %get3A_834 = vector.load %arg1[%get3A_832, %get3A_833] : memref<32x32768xf32, #tpu.memory_space<vmem>>, vector<32x128xf32>
    %get3A_835 = arith.constant 0 : index
    %get3A_836 = arith.constant 25344 : index
    %get3A_837 = vector.load %arg1[%get3A_835, %get3A_836] : memref<32x32768xf32, #tpu.memory_space<vmem>>, vector<32x128xf32>
    %get3A_838 = arith.constant 0 : index
    %get3A_839 = arith.constant 25472 : index
    %get3A_840 = vector.load %arg1[%get3A_838, %get3A_839] : memref<32x32768xf32, #tpu.memory_space<vmem>>, vector<32x128xf32>
    %concatenate3A_841 = tpu.concatenate %get3A_831, %get3A_834, %get3A_837, %get3A_840 in 0 : vector<32x128xf32>, vector<32x128xf32>, vector<32x128xf32>, vector<32x128xf32> -> vector<128x128xf32>
    %transpose3A_842 = tpu.transpose %concatenate3A_841, [1, 0] : vector<128x128xf32> -> vector<128x128xf32>
    %swap3A_843 = arith.constant 6272 : index
    %swap3A_844 = arith.constant 0 : index
    %swap3A_845 = vector.load %arg2[%swap3A_843, %swap3A_844] : memref<8192x128xf32, #tpu.memory_space<vmem>>, vector<128x128xf32>
    tpu.vector_store %arg2[%swap3A_843, %swap3A_844], %transpose3A_842 {strides = array<i32>} : memref<8192x128xf32, #tpu.memory_space<vmem>>, vector<128x128xf32>,
    %get3A_846 = arith.constant 0 : index
    %get3A_847 = arith.constant 25600 : index
    %get3A_848 = vector.load %arg1[%get3A_846, %get3A_847] : memref<32x32768xf32, #tpu.memory_space<vmem>>, vector<32x128xf32>
    %get3A_849 = arith.constant 0 : index
    %get3A_850 = arith.constant 25728 : index
    %get3A_851 = vector.load %arg1[%get3A_849, %get3A_850] : memref<32x32768xf32, #tpu.memory_space<vmem>>, vector<32x128xf32>
    %get3A_852 = arith.constant 0 : index
    %get3A_853 = arith.constant 25856 : index
    %get3A_854 = vector.load %arg1[%get3A_852, %get3A_853] : memref<32x32768xf32, #tpu.memory_space<vmem>>, vector<32x128xf32>
    %get3A_855 = arith.constant 0 : index
    %get3A_856 = arith.constant 25984 : index
    %get3A_857 = vector.load %arg1[%get3A_855, %get3A_856] : memref<32x32768xf32, #tpu.memory_space<vmem>>, vector<32x128xf32>
    %concatenate3A_858 = tpu.concatenate %get3A_848, %get3A_851, %get3A_854, %get3A_857 in 0 : vector<32x128xf32>, vector<32x128xf32>, vector<32x128xf32>, vector<32x128xf32> -> vector<128x128xf32>
    %transpose3A_859 = tpu.transpose %concatenate3A_858, [1, 0] : vector<128x128xf32> -> vector<128x128xf32>
    %swap3A_860 = arith.constant 6400 : index
    %swap3A_861 = arith.constant 0 : index
    %swap3A_862 = vector.load %arg2[%swap3A_860, %swap3A_861] : memref<8192x128xf32, #tpu.memory_space<vmem>>, vector<128x128xf32>
    tpu.vector_store %arg2[%swap3A_860, %swap3A_861], %transpose3A_859 {strides = array<i32>} : memref<8192x128xf32, #tpu.memory_space<vmem>>, vector<128x128xf32>,
    %get3A_863 = arith.constant 0 : index
    %get3A_864 = arith.constant 26112 : index
    %get3A_865 = vector.load %arg1[%get3A_863, %get3A_864] : memref<32x32768xf32, #tpu.memory_space<vmem>>, vector<32x128xf32>
    %get3A_866 = arith.constant 0 : index
    %get3A_867 = arith.constant 26240 : index
    %get3A_868 = vector.load %arg1[%get3A_866, %get3A_867] : memref<32x32768xf32, #tpu.memory_space<vmem>>, vector<32x128xf32>
    %get3A_869 = arith.constant 0 : index
    %get3A_870 = arith.constant 26368 : index
    %get3A_871 = vector.load %arg1[%get3A_869, %get3A_870] : memref<32x32768xf32, #tpu.memory_space<vmem>>, vector<32x128xf32>
    %get3A_872 = arith.constant 0 : index
    %get3A_873 = arith.constant 26496 : index
    %get3A_874 = vector.load %arg1[%get3A_872, %get3A_873] : memref<32x32768xf32, #tpu.memory_space<vmem>>, vector<32x128xf32>
    %concatenate3A_875 = tpu.concatenate %get3A_865, %get3A_868, %get3A_871, %get3A_874 in 0 : vector<32x128xf32>, vector<32x128xf32>, vector<32x128xf32>, vector<32x128xf32> -> vector<128x128xf32>
    %transpose3A_876 = tpu.transpose %concatenate3A_875, [1, 0] : vector<128x128xf32> -> vector<128x128xf32>
    %swap3A_877 = arith.constant 6528 : index
    %swap3A_878 = arith.constant 0 : index
    %swap3A_879 = vector.load %arg2[%swap3A_877, %swap3A_878] : memref<8192x128xf32, #tpu.memory_space<vmem>>, vector<128x128xf32>
    tpu.vector_store %arg2[%swap3A_877, %swap3A_878], %transpose3A_876 {strides = array<i32>} : memref<8192x128xf32, #tpu.memory_space<vmem>>, vector<128x128xf32>,
    %get3A_880 = arith.constant 0 : index
    %get3A_881 = arith.constant 26624 : index
    %get3A_882 = vector.load %arg1[%get3A_880, %get3A_881] : memref<32x32768xf32, #tpu.memory_space<vmem>>, vector<32x128xf32>
    %get3A_883 = arith.constant 0 : index
    %get3A_884 = arith.constant 26752 : index
    %get3A_885 = vector.load %arg1[%get3A_883, %get3A_884] : memref<32x32768xf32, #tpu.memory_space<vmem>>, vector<32x128xf32>
    %get3A_886 = arith.constant 0 : index
    %get3A_887 = arith.constant 26880 : index
    %get3A_888 = vector.load %arg1[%get3A_886, %get3A_887] : memref<32x32768xf32, #tpu.memory_space<vmem>>, vector<32x128xf32>
    %get3A_889 = arith.constant 0 : index
    %get3A_890 = arith.constant 27008 : index
    %get3A_891 = vector.load %arg1[%get3A_889, %get3A_890] : memref<32x32768xf32, #tpu.memory_space<vmem>>, vector<32x128xf32>
    %concatenate3A_892 = tpu.concatenate %get3A_882, %get3A_885, %get3A_888, %get3A_891 in 0 : vector<32x128xf32>, vector<32x128xf32>, vector<32x128xf32>, vector<32x128xf32> -> vector<128x128xf32>
    %transpose3A_893 = tpu.transpose %concatenate3A_892, [1, 0] : vector<128x128xf32> -> vector<128x128xf32>
    %swap3A_894 = arith.constant 6656 : index
    %swap3A_895 = arith.constant 0 : index
    %swap3A_896 = vector.load %arg2[%swap3A_894, %swap3A_895] : memref<8192x128xf32, #tpu.memory_space<vmem>>, vector<128x128xf32>
    tpu.vector_store %arg2[%swap3A_894, %swap3A_895], %transpose3A_893 {strides = array<i32>} : memref<8192x128xf32, #tpu.memory_space<vmem>>, vector<128x128xf32>,
    %get3A_897 = arith.constant 0 : index
    %get3A_898 = arith.constant 27136 : index
    %get3A_899 = vector.load %arg1[%get3A_897, %get3A_898] : memref<32x32768xf32, #tpu.memory_space<vmem>>, vector<32x128xf32>
    %get3A_900 = arith.constant 0 : index
    %get3A_901 = arith.constant 27264 : index
    %get3A_902 = vector.load %arg1[%get3A_900, %get3A_901] : memref<32x32768xf32, #tpu.memory_space<vmem>>, vector<32x128xf32>
    %get3A_903 = arith.constant 0 : index
    %get3A_904 = arith.constant 27392 : index
    %get3A_905 = vector.load %arg1[%get3A_903, %get3A_904] : memref<32x32768xf32, #tpu.memory_space<vmem>>, vector<32x128xf32>
    %get3A_906 = arith.constant 0 : index
    %get3A_907 = arith.constant 27520 : index
    %get3A_908 = vector.load %arg1[%get3A_906, %get3A_907] : memref<32x32768xf32, #tpu.memory_space<vmem>>, vector<32x128xf32>
    %concatenate3A_909 = tpu.concatenate %get3A_899, %get3A_902, %get3A_905, %get3A_908 in 0 : vector<32x128xf32>, vector<32x128xf32>, vector<32x128xf32>, vector<32x128xf32> -> vector<128x128xf32>
    %transpose3A_910 = tpu.transpose %concatenate3A_909, [1, 0] : vector<128x128xf32> -> vector<128x128xf32>
    %swap3A_911 = arith.constant 6784 : index
    %swap3A_912 = arith.constant 0 : index
    %swap3A_913 = vector.load %arg2[%swap3A_911, %swap3A_912] : memref<8192x128xf32, #tpu.memory_space<vmem>>, vector<128x128xf32>
    tpu.vector_store %arg2[%swap3A_911, %swap3A_912], %transpose3A_910 {strides = array<i32>} : memref<8192x128xf32, #tpu.memory_space<vmem>>, vector<128x128xf32>,
    %get3A_914 = arith.constant 0 : index
    %get3A_915 = arith.constant 27648 : index
    %get3A_916 = vector.load %arg1[%get3A_914, %get3A_915] : memref<32x32768xf32, #tpu.memory_space<vmem>>, vector<32x128xf32>
    %get3A_917 = arith.constant 0 : index
    %get3A_918 = arith.constant 27776 : index
    %get3A_919 = vector.load %arg1[%get3A_917, %get3A_918] : memref<32x32768xf32, #tpu.memory_space<vmem>>, vector<32x128xf32>
    %get3A_920 = arith.constant 0 : index
    %get3A_921 = arith.constant 27904 : index
    %get3A_922 = vector.load %arg1[%get3A_920, %get3A_921] : memref<32x32768xf32, #tpu.memory_space<vmem>>, vector<32x128xf32>
    %get3A_923 = arith.constant 0 : index
    %get3A_924 = arith.constant 28032 : index
    %get3A_925 = vector.load %arg1[%get3A_923, %get3A_924] : memref<32x32768xf32, #tpu.memory_space<vmem>>, vector<32x128xf32>
    %concatenate3A_926 = tpu.concatenate %get3A_916, %get3A_919, %get3A_922, %get3A_925 in 0 : vector<32x128xf32>, vector<32x128xf32>, vector<32x128xf32>, vector<32x128xf32> -> vector<128x128xf32>
    %transpose3A_927 = tpu.transpose %concatenate3A_926, [1, 0] : vector<128x128xf32> -> vector<128x128xf32>
    %swap3A_928 = arith.constant 6912 : index
    %swap3A_929 = arith.constant 0 : index
    %swap3A_930 = vector.load %arg2[%swap3A_928, %swap3A_929] : memref<8192x128xf32, #tpu.memory_space<vmem>>, vector<128x128xf32>
    tpu.vector_store %arg2[%swap3A_928, %swap3A_929], %transpose3A_927 {strides = array<i32>} : memref<8192x128xf32, #tpu.memory_space<vmem>>, vector<128x128xf32>,
    %get3A_931 = arith.constant 0 : index
    %get3A_932 = arith.constant 28160 : index
    %get3A_933 = vector.load %arg1[%get3A_931, %get3A_932] : memref<32x32768xf32, #tpu.memory_space<vmem>>, vector<32x128xf32>
    %get3A_934 = arith.constant 0 : index
    %get3A_935 = arith.constant 28288 : index
    %get3A_936 = vector.load %arg1[%get3A_934, %get3A_935] : memref<32x32768xf32, #tpu.memory_space<vmem>>, vector<32x128xf32>
    %get3A_937 = arith.constant 0 : index
    %get3A_938 = arith.constant 28416 : index
    %get3A_939 = vector.load %arg1[%get3A_937, %get3A_938] : memref<32x32768xf32, #tpu.memory_space<vmem>>, vector<32x128xf32>
    %get3A_940 = arith.constant 0 : index
    %get3A_941 = arith.constant 28544 : index
    %get3A_942 = vector.load %arg1[%get3A_940, %get3A_941] : memref<32x32768xf32, #tpu.memory_space<vmem>>, vector<32x128xf32>
    %concatenate3A_943 = tpu.concatenate %get3A_933, %get3A_936, %get3A_939, %get3A_942 in 0 : vector<32x128xf32>, vector<32x128xf32>, vector<32x128xf32>, vector<32x128xf32> -> vector<128x128xf32>
    %transpose3A_944 = tpu.transpose %concatenate3A_943, [1, 0] : vector<128x128xf32> -> vector<128x128xf32>
    %swap3A_945 = arith.constant 7040 : index
    %swap3A_946 = arith.constant 0 : index
    %swap3A_947 = vector.load %arg2[%swap3A_945, %swap3A_946] : memref<8192x128xf32, #tpu.memory_space<vmem>>, vector<128x128xf32>
    tpu.vector_store %arg2[%swap3A_945, %swap3A_946], %transpose3A_944 {strides = array<i32>} : memref<8192x128xf32, #tpu.memory_space<vmem>>, vector<128x128xf32>,
    %get3A_948 = arith.constant 0 : index
    %get3A_949 = arith.constant 28672 : index
    %get3A_950 = vector.load %arg1[%get3A_948, %get3A_949] : memref<32x32768xf32, #tpu.memory_space<vmem>>, vector<32x128xf32>
    %get3A_951 = arith.constant 0 : index
    %get3A_952 = arith.constant 28800 : index
    %get3A_953 = vector.load %arg1[%get3A_951, %get3A_952] : memref<32x32768xf32, #tpu.memory_space<vmem>>, vector<32x128xf32>
    %get3A_954 = arith.constant 0 : index
    %get3A_955 = arith.constant 28928 : index
    %get3A_956 = vector.load %arg1[%get3A_954, %get3A_955] : memref<32x32768xf32, #tpu.memory_space<vmem>>, vector<32x128xf32>
    %get3A_957 = arith.constant 0 : index
    %get3A_958 = arith.constant 29056 : index
    %get3A_959 = vector.load %arg1[%get3A_957, %get3A_958] : memref<32x32768xf32, #tpu.memory_space<vmem>>, vector<32x128xf32>
    %concatenate3A_960 = tpu.concatenate %get3A_950, %get3A_953, %get3A_956, %get3A_959 in 0 : vector<32x128xf32>, vector<32x128xf32>, vector<32x128xf32>, vector<32x128xf32> -> vector<128x128xf32>
    %transpose3A_961 = tpu.transpose %concatenate3A_960, [1, 0] : vector<128x128xf32> -> vector<128x128xf32>
    %swap3A_962 = arith.constant 7168 : index
    %swap3A_963 = arith.constant 0 : index
    %swap3A_964 = vector.load %arg2[%swap3A_962, %swap3A_963] : memref<8192x128xf32, #tpu.memory_space<vmem>>, vector<128x128xf32>
    tpu.vector_store %arg2[%swap3A_962, %swap3A_963], %transpose3A_961 {strides = array<i32>} : memref<8192x128xf32, #tpu.memory_space<vmem>>, vector<128x128xf32>,
    %get3A_965 = arith.constant 0 : index
    %get3A_966 = arith.constant 29184 : index
    %get3A_967 = vector.load %arg1[%get3A_965, %get3A_966] : memref<32x32768xf32, #tpu.memory_space<vmem>>, vector<32x128xf32>
    %get3A_968 = arith.constant 0 : index
    %get3A_969 = arith.constant 29312 : index
    %get3A_970 = vector.load %arg1[%get3A_968, %get3A_969] : memref<32x32768xf32, #tpu.memory_space<vmem>>, vector<32x128xf32>
    %get3A_971 = arith.constant 0 : index
    %get3A_972 = arith.constant 29440 : index
    %get3A_973 = vector.load %arg1[%get3A_971, %get3A_972] : memref<32x32768xf32, #tpu.memory_space<vmem>>, vector<32x128xf32>
    %get3A_974 = arith.constant 0 : index
    %get3A_975 = arith.constant 29568 : index
    %get3A_976 = vector.load %arg1[%get3A_974, %get3A_975] : memref<32x32768xf32, #tpu.memory_space<vmem>>, vector<32x128xf32>
    %concatenate3A_977 = tpu.concatenate %get3A_967, %get3A_970, %get3A_973, %get3A_976 in 0 : vector<32x128xf32>, vector<32x128xf32>, vector<32x128xf32>, vector<32x128xf32> -> vector<128x128xf32>
    %transpose3A_978 = tpu.transpose %concatenate3A_977, [1, 0] : vector<128x128xf32> -> vector<128x128xf32>
    %swap3A_979 = arith.constant 7296 : index
    %swap3A_980 = arith.constant 0 : index
    %swap3A_981 = vector.load %arg2[%swap3A_979, %swap3A_980] : memref<8192x128xf32, #tpu.memory_space<vmem>>, vector<128x128xf32>
    tpu.vector_store %arg2[%swap3A_979, %swap3A_980], %transpose3A_978 {strides = array<i32>} : memref<8192x128xf32, #tpu.memory_space<vmem>>, vector<128x128xf32>,
    %get3A_982 = arith.constant 0 : index
    %get3A_983 = arith.constant 29696 : index
    %get3A_984 = vector.load %arg1[%get3A_982, %get3A_983] : memref<32x32768xf32, #tpu.memory_space<vmem>>, vector<32x128xf32>
    %get3A_985 = arith.constant 0 : index
    %get3A_986 = arith.constant 29824 : index
    %get3A_987 = vector.load %arg1[%get3A_985, %get3A_986] : memref<32x32768xf32, #tpu.memory_space<vmem>>, vector<32x128xf32>
    %get3A_988 = arith.constant 0 : index
    %get3A_989 = arith.constant 29952 : index
    %get3A_990 = vector.load %arg1[%get3A_988, %get3A_989] : memref<32x32768xf32, #tpu.memory_space<vmem>>, vector<32x128xf32>
    %get3A_991 = arith.constant 0 : index
    %get3A_992 = arith.constant 30080 : index
    %get3A_993 = vector.load %arg1[%get3A_991, %get3A_992] : memref<32x32768xf32, #tpu.memory_space<vmem>>, vector<32x128xf32>
    %concatenate3A_994 = tpu.concatenate %get3A_984, %get3A_987, %get3A_990, %get3A_993 in 0 : vector<32x128xf32>, vector<32x128xf32>, vector<32x128xf32>, vector<32x128xf32> -> vector<128x128xf32>
    %transpose3A_995 = tpu.transpose %concatenate3A_994, [1, 0] : vector<128x128xf32> -> vector<128x128xf32>
    %swap3A_996 = arith.constant 7424 : index
    %swap3A_997 = arith.constant 0 : index
    %swap3A_998 = vector.load %arg2[%swap3A_996, %swap3A_997] : memref<8192x128xf32, #tpu.memory_space<vmem>>, vector<128x128xf32>
    tpu.vector_store %arg2[%swap3A_996, %swap3A_997], %transpose3A_995 {strides = array<i32>} : memref<8192x128xf32, #tpu.memory_space<vmem>>, vector<128x128xf32>,
    %get3A_999 = arith.constant 0 : index
    %get3A_1000 = arith.constant 30208 : index
    %get3A_1001 = vector.load %arg1[%get3A_999, %get3A_1000] : memref<32x32768xf32, #tpu.memory_space<vmem>>, vector<32x128xf32>
    %get3A_1002 = arith.constant 0 : index
    %get3A_1003 = arith.constant 30336 : index
    %get3A_1004 = vector.load %arg1[%get3A_1002, %get3A_1003] : memref<32x32768xf32, #tpu.memory_space<vmem>>, vector<32x128xf32>
    %get3A_1005 = arith.constant 0 : index
    %get3A_1006 = arith.constant 30464 : index
    %get3A_1007 = vector.load %arg1[%get3A_1005, %get3A_1006] : memref<32x32768xf32, #tpu.memory_space<vmem>>, vector<32x128xf32>
    %get3A_1008 = arith.constant 0 : index
    %get3A_1009 = arith.constant 30592 : index
    %get3A_1010 = vector.load %arg1[%get3A_1008, %get3A_1009] : memref<32x32768xf32, #tpu.memory_space<vmem>>, vector<32x128xf32>
    %concatenate3A_1011 = tpu.concatenate %get3A_1001, %get3A_1004, %get3A_1007, %get3A_1010 in 0 : vector<32x128xf32>, vector<32x128xf32>, vector<32x128xf32>, vector<32x128xf32> -> vector<128x128xf32>
    %transpose3A_1012 = tpu.transpose %concatenate3A_1011, [1, 0] : vector<128x128xf32> -> vector<128x128xf32>
    %swap3A_1013 = arith.constant 7552 : index
    %swap3A_1014 = arith.constant 0 : index
    %swap3A_1015 = vector.load %arg2[%swap3A_1013, %swap3A_1014] : memref<8192x128xf32, #tpu.memory_space<vmem>>, vector<128x128xf32>
    tpu.vector_store %arg2[%swap3A_1013, %swap3A_1014], %transpose3A_1012 {strides = array<i32>} : memref<8192x128xf32, #tpu.memory_space<vmem>>, vector<128x128xf32>,
    %get3A_1016 = arith.constant 0 : index
    %get3A_1017 = arith.constant 30720 : index
    %get3A_1018 = vector.load %arg1[%get3A_1016, %get3A_1017] : memref<32x32768xf32, #tpu.memory_space<vmem>>, vector<32x128xf32>
    %get3A_1019 = arith.constant 0 : index
    %get3A_1020 = arith.constant 30848 : index
    %get3A_1021 = vector.load %arg1[%get3A_1019, %get3A_1020] : memref<32x32768xf32, #tpu.memory_space<vmem>>, vector<32x128xf32>
    %get3A_1022 = arith.constant 0 : index
    %get3A_1023 = arith.constant 30976 : index
    %get3A_1024 = vector.load %arg1[%get3A_1022, %get3A_1023] : memref<32x32768xf32, #tpu.memory_space<vmem>>, vector<32x128xf32>
    %get3A_1025 = arith.constant 0 : index
    %get3A_1026 = arith.constant 31104 : index
    %get3A_1027 = vector.load %arg1[%get3A_1025, %get3A_1026] : memref<32x32768xf32, #tpu.memory_space<vmem>>, vector<32x128xf32>
    %concatenate3A_1028 = tpu.concatenate %get3A_1018, %get3A_1021, %get3A_1024, %get3A_1027 in 0 : vector<32x128xf32>, vector<32x128xf32>, vector<32x128xf32>, vector<32x128xf32> -> vector<128x128xf32>
    %transpose3A_1029 = tpu.transpose %concatenate3A_1028, [1, 0] : vector<128x128xf32> -> vector<128x128xf32>
    %swap3A_1030 = arith.constant 7680 : index
    %swap3A_1031 = arith.constant 0 : index
    %swap3A_1032 = vector.load %arg2[%swap3A_1030, %swap3A_1031] : memref<8192x128xf32, #tpu.memory_space<vmem>>, vector<128x128xf32>
    tpu.vector_store %arg2[%swap3A_1030, %swap3A_1031], %transpose3A_1029 {strides = array<i32>} : memref<8192x128xf32, #tpu.memory_space<vmem>>, vector<128x128xf32>,
    %get3A_1033 = arith.constant 0 : index
    %get3A_1034 = arith.constant 31232 : index
    %get3A_1035 = vector.load %arg1[%get3A_1033, %get3A_1034] : memref<32x32768xf32, #tpu.memory_space<vmem>>, vector<32x128xf32>
    %get3A_1036 = arith.constant 0 : index
    %get3A_1037 = arith.constant 31360 : index
    %get3A_1038 = vector.load %arg1[%get3A_1036, %get3A_1037] : memref<32x32768xf32, #tpu.memory_space<vmem>>, vector<32x128xf32>
    %get3A_1039 = arith.constant 0 : index
    %get3A_1040 = arith.constant 31488 : index
    %get3A_1041 = vector.load %arg1[%get3A_1039, %get3A_1040] : memref<32x32768xf32, #tpu.memory_space<vmem>>, vector<32x128xf32>
    %get3A_1042 = arith.constant 0 : index
    %get3A_1043 = arith.constant 31616 : index
    %get3A_1044 = vector.load %arg1[%get3A_1042, %get3A_1043] : memref<32x32768xf32, #tpu.memory_space<vmem>>, vector<32x128xf32>
    %concatenate3A_1045 = tpu.concatenate %get3A_1035, %get3A_1038, %get3A_1041, %get3A_1044 in 0 : vector<32x128xf32>, vector<32x128xf32>, vector<32x128xf32>, vector<32x128xf32> -> vector<128x128xf32>
    %transpose3A_1046 = tpu.transpose %concatenate3A_1045, [1, 0] : vector<128x128xf32> -> vector<128x128xf32>
    %swap3A_1047 = arith.constant 7808 : index
    %swap3A_1048 = arith.constant 0 : index
    %swap3A_1049 = vector.load %arg2[%swap3A_1047, %swap3A_1048] : memref<8192x128xf32, #tpu.memory_space<vmem>>, vector<128x128xf32>
    tpu.vector_store %arg2[%swap3A_1047, %swap3A_1048], %transpose3A_1046 {strides = array<i32>} : memref<8192x128xf32, #tpu.memory_space<vmem>>, vector<128x128xf32>,
    %get3A_1050 = arith.constant 0 : index
    %get3A_1051 = arith.constant 31744 : index
    %get3A_1052 = vector.load %arg1[%get3A_1050, %get3A_1051] : memref<32x32768xf32, #tpu.memory_space<vmem>>, vector<32x128xf32>
    %get3A_1053 = arith.constant 0 : index
    %get3A_1054 = arith.constant 31872 : index
    %get3A_1055 = vector.load %arg1[%get3A_1053, %get3A_1054] : memref<32x32768xf32, #tpu.memory_space<vmem>>, vector<32x128xf32>
    %get3A_1056 = arith.constant 0 : index
    %get3A_1057 = arith.constant 32000 : index
    %get3A_1058 = vector.load %arg1[%get3A_1056, %get3A_1057] : memref<32x32768xf32, #tpu.memory_space<vmem>>, vector<32x128xf32>
    %get3A_1059 = arith.constant 0 : index
    %get3A_1060 = arith.constant 32128 : index
    %get3A_1061 = vector.load %arg1[%get3A_1059, %get3A_1060] : memref<32x32768xf32, #tpu.memory_space<vmem>>, vector<32x128xf32>
    %concatenate3A_1062 = tpu.concatenate %get3A_1052, %get3A_1055, %get3A_1058, %get3A_1061 in 0 : vector<32x128xf32>, vector<32x128xf32>, vector<32x128xf32>, vector<32x128xf32> -> vector<128x128xf32>
    %transpose3A_1063 = tpu.transpose %concatenate3A_1062, [1, 0] : vector<128x128xf32> -> vector<128x128xf32>
    %swap3A_1064 = arith.constant 7936 : index
    %swap3A_1065 = arith.constant 0 : index
    %swap3A_1066 = vector.load %arg2[%swap3A_1064, %swap3A_1065] : memref<8192x128xf32, #tpu.memory_space<vmem>>, vector<128x128xf32>
    tpu.vector_store %arg2[%swap3A_1064, %swap3A_1065], %transpose3A_1063 {strides = array<i32>} : memref<8192x128xf32, #tpu.memory_space<vmem>>, vector<128x128xf32>,
    %get3A_1067 = arith.constant 0 : index
    %get3A_1068 = arith.constant 32256 : index
    %get3A_1069 = vector.load %arg1[%get3A_1067, %get3A_1068] : memref<32x32768xf32, #tpu.memory_space<vmem>>, vector<32x128xf32>
    %get3A_1070 = arith.constant 0 : index
    %get3A_1071 = arith.constant 32384 : index
    %get3A_1072 = vector.load %arg1[%get3A_1070, %get3A_1071] : memref<32x32768xf32, #tpu.memory_space<vmem>>, vector<32x128xf32>
    %get3A_1073 = arith.constant 0 : index
    %get3A_1074 = arith.constant 32512 : index
    %get3A_1075 = vector.load %arg1[%get3A_1073, %get3A_1074] : memref<32x32768xf32, #tpu.memory_space<vmem>>, vector<32x128xf32>
    %get3A_1076 = arith.constant 0 : index
    %get3A_1077 = arith.constant 32640 : index
    %get3A_1078 = vector.load %arg1[%get3A_1076, %get3A_1077] : memref<32x32768xf32, #tpu.memory_space<vmem>>, vector<32x128xf32>
    %concatenate3A_1079 = tpu.concatenate %get3A_1069, %get3A_1072, %get3A_1075, %get3A_1078 in 0 : vector<32x128xf32>, vector<32x128xf32>, vector<32x128xf32>, vector<32x128xf32> -> vector<128x128xf32>
    %transpose3A_1080 = tpu.transpose %concatenate3A_1079, [1, 0] : vector<128x128xf32> -> vector<128x128xf32>
    %swap3A_1081 = arith.constant 8064 : index
    %swap3A_1082 = arith.constant 0 : index
    %swap3A_1083 = vector.load %arg2[%swap3A_1081, %swap3A_1082] : memref<8192x128xf32, #tpu.memory_space<vmem>>, vector<128x128xf32>
    tpu.vector_store %arg2[%swap3A_1081, %swap3A_1082], %transpose3A_1080 {strides = array<i32>} : memref<8192x128xf32, #tpu.memory_space<vmem>>, vector<128x128xf32>,
    return
  }
  func.func @transform_0(%arg0: i32) -> (i32, i32) {
    %c0_i32 = arith.constant 0 : i32
    %c0_i32_0 = arith.constant 0 : i32
    return %c0_i32, %arg0 : i32, i32
  }
  func.func @transform_1(%arg0: i32) -> (i32, i32) {
    %c0_i32 = arith.constant 0 : i32
    %c0_i32_0 = arith.constant 0 : i32
    return %arg0, %c0_i32 : i32, i32
  }
}

module attributes {stable_mosaic.version = 14 : i64} {
  func.func @_mlp_body(%arg0: i32, %arg1: memref<2048x128xf32, #tpu.memory_space<vmem>>, %arg2: memref<2048x128xf32, #tpu.memory_space<vmem>>, %arg3: memref<2048x2xi32, #tpu.memory_space<vmem>>, %arg4: memref<128x64xf32, #tpu.memory_space<vmem>>, %arg5: memref<128x64xf32, #tpu.memory_space<vmem>>, %arg6: memref<1x64xf32, #tpu.memory_space<vmem>>, %arg7: memref<1x64xf32, #tpu.memory_space<vmem>>, %arg8: memref<1x1xf32, #tpu.memory_space<vmem>>, %arg9: memref<1x2048xf32, #tpu.memory_space<vmem>>) attributes {dimension_semantics = [#tpu.dimension_semantics<arbitrary>], iteration_bounds = array<i64: 8>, scalar_prefetch = 0 : i64, scratch_operands = 0 : i64, tpu.core_type = #tpu.core_type<tc>, window_params = [{transform_indices = @transform_0, window_bounds = array<i64: 2048, 128>}, {transform_indices = @transform_1, window_bounds = array<i64: 2048, 128>}, {transform_indices = @transform_2, window_bounds = array<i64: 2048, 2>}, {pipeline_mode = #tpu.pipeline_mode<synchronous>, transform_indices = @transform_3, window_bounds = array<i64: 128, 64>}, {pipeline_mode = #tpu.pipeline_mode<synchronous>, transform_indices = @transform_4, window_bounds = array<i64: 128, 64>}, {pipeline_mode = #tpu.pipeline_mode<synchronous>, transform_indices = @transform_5, window_bounds = array<i64: 1, 64>}, {pipeline_mode = #tpu.pipeline_mode<synchronous>, transform_indices = @transform_6, window_bounds = array<i64: 1, 64>}, {pipeline_mode = #tpu.pipeline_mode<synchronous>, transform_indices = @transform_7, window_bounds = array<i64: 1, 1>}, {transform_indices = @transform_8, window_bounds = array<i64: 1, 2048>}]} {
    %iota3A = tpu.iota {dimensions = array<i32: 1>} : vector<2048x128xi32>
    %jit3A = arith.constant 32 : i32
    %div3A = vector.broadcast %jit3A : i32 to vector<2048x128xi32>
    %div3A_0 = arith.divsi %iota3A, %div3A : vector<2048x128xi32>
    %sign3A = arith.constant 0 : i32
    %sign3A_1 = vector.broadcast %sign3A : i32 to vector<2048x128xi32>
    %sign3A_2 = arith.cmpi sgt, %iota3A, %sign3A_1 : vector<2048x128xi32>
    %sign3A_3 = arith.extui %sign3A_2 : vector<2048x128xi1> to vector<2048x128xi32>
    %sign3A_4 = arith.constant 0 : i32
    %sign3A_5 = vector.broadcast %sign3A_4 : i32 to vector<2048x128xi32>
    %sign3A_6 = arith.cmpi slt, %iota3A, %sign3A_5 : vector<2048x128xi32>
    %sign3A_7 = arith.extui %sign3A_6 : vector<2048x128xi1> to vector<2048x128xi32>
    %sign3A_8 = arith.subi %sign3A_3, %sign3A_7 : vector<2048x128xi32>
    %sign3A_9 = arith.constant 0 : i32
    %sign3A_10 = arith.cmpi sgt, %jit3A, %sign3A_9 : i32
    %sign3A_11 = arith.extui %sign3A_10 : i1 to i32
    %sign3A_12 = arith.constant 0 : i32
    %sign3A_13 = arith.cmpi slt, %jit3A, %sign3A_12 : i32
    %sign3A_14 = arith.extui %sign3A_13 : i1 to i32
    %sign3A_15 = arith.subi %sign3A_11, %sign3A_14 : i32
    %ne3A = vector.broadcast %sign3A_15 : i32 to vector<2048x128xi32>
    %ne3A_16 = arith.cmpi ne, %sign3A_8, %ne3A : vector<2048x128xi32>
    %rem3A = vector.broadcast %jit3A : i32 to vector<2048x128xi32>
    %rem3A_17 = arith.remsi %iota3A, %rem3A : vector<2048x128xi32>
    %ne3A_18 = arith.constant 0 : i32
    %ne3A_19 = vector.broadcast %ne3A_18 : i32 to vector<2048x128xi32>
    %ne3A_20 = arith.cmpi ne, %rem3A_17, %ne3A_19 : vector<2048x128xi32>
    %and3A = arith.andi %ne3A_16, %ne3A_20 : vector<2048x128xi1>
    %sub3A = arith.constant 1 : i32
    %sub3A_21 = vector.broadcast %sub3A : i32 to vector<2048x128xi32>
    %sub3A_22 = arith.subi %div3A_0, %sub3A_21 : vector<2048x128xi32>
    %select_n3A = arith.select %and3A, %sub3A_22, %div3A_0 : vector<2048x128xi1>, vector<2048x128xi32>
    %get3A = arith.constant 0 : index
    %get3A_23 = arith.constant 0 : index
    %get3A_24 = vector.load %arg3[%get3A, %get3A_23] : memref<2048x2xi32, #tpu.memory_space<vmem>>, vector<2048x1xi32>
    %jit3A_25 = arith.constant 128 : i32
    %div3A_26 = vector.broadcast %jit3A_25 : i32 to vector<2048x1xi32>
    %div3A_27 = arith.divsi %get3A_24, %div3A_26 : vector<2048x1xi32>
    %sign3A_28 = arith.constant 0 : i32
    %sign3A_29 = vector.broadcast %sign3A_28 : i32 to vector<2048x1xi32>
    %sign3A_30 = arith.cmpi sgt, %get3A_24, %sign3A_29 : vector<2048x1xi32>
    %sign3A_31 = arith.extui %sign3A_30 : vector<2048x1xi1> to vector<2048x1xi32>
    %sign3A_32 = arith.constant 0 : i32
    %sign3A_33 = vector.broadcast %sign3A_32 : i32 to vector<2048x1xi32>
    %sign3A_34 = arith.cmpi slt, %get3A_24, %sign3A_33 : vector<2048x1xi32>
    %sign3A_35 = arith.extui %sign3A_34 : vector<2048x1xi1> to vector<2048x1xi32>
    %sign3A_36 = arith.subi %sign3A_31, %sign3A_35 : vector<2048x1xi32>
    %sign3A_37 = arith.constant 0 : i32
    %sign3A_38 = arith.cmpi sgt, %jit3A_25, %sign3A_37 : i32
    %sign3A_39 = arith.extui %sign3A_38 : i1 to i32
    %sign3A_40 = arith.constant 0 : i32
    %sign3A_41 = arith.cmpi slt, %jit3A_25, %sign3A_40 : i32
    %sign3A_42 = arith.extui %sign3A_41 : i1 to i32
    %sign3A_43 = arith.subi %sign3A_39, %sign3A_42 : i32
    %ne3A_44 = vector.broadcast %sign3A_43 : i32 to vector<2048x1xi32>
    %ne3A_45 = arith.cmpi ne, %sign3A_36, %ne3A_44 : vector<2048x1xi32>
    %rem3A_46 = vector.broadcast %jit3A_25 : i32 to vector<2048x1xi32>
    %rem3A_47 = arith.remsi %get3A_24, %rem3A_46 : vector<2048x1xi32>
    %ne3A_48 = arith.constant 0 : i32
    %ne3A_49 = vector.broadcast %ne3A_48 : i32 to vector<2048x1xi32>
    %ne3A_50 = arith.cmpi ne, %rem3A_47, %ne3A_49 : vector<2048x1xi32>
    %and3A_51 = arith.andi %ne3A_45, %ne3A_50 : vector<2048x1xi1>
    %sub3A_52 = arith.constant 1 : i32
    %sub3A_53 = vector.broadcast %sub3A_52 : i32 to vector<2048x1xi32>
    %sub3A_54 = arith.subi %div3A_27, %sub3A_53 : vector<2048x1xi32>
    %select_n3A_55 = arith.select %and3A_51, %sub3A_54, %div3A_27 : vector<2048x1xi1>, vector<2048x1xi32>
    %jit3A_56 = arith.constant 4 : i32
    %eq3A = arith.constant 0 : i32
    %eq3A_57 = arith.cmpi eq, %jit3A_56, %eq3A : i32
    %jit3A_58 = arith.constant 1 : i32
    %select_n3A_59 = arith.select %eq3A_57, %jit3A_58, %jit3A_56 : i32
    %rem3A_60 = vector.broadcast %select_n3A_59 : i32 to vector<2048x1xi32>
    %rem3A_61 = arith.remsi %select_n3A_55, %rem3A_60 : vector<2048x1xi32>
    %ne3A_62 = arith.constant 0 : i32
    %ne3A_63 = vector.broadcast %ne3A_62 : i32 to vector<2048x1xi32>
    %ne3A_64 = arith.cmpi ne, %rem3A_61, %ne3A_63 : vector<2048x1xi32>
    %lt3A = arith.constant 0 : i32
    %lt3A_65 = vector.broadcast %lt3A : i32 to vector<2048x1xi32>
    %lt3A_66 = arith.cmpi slt, %rem3A_61, %lt3A_65 : vector<2048x1xi32>
    %lt3A_67 = arith.constant 0 : i32
    %lt3A_68 = arith.cmpi slt, %select_n3A_59, %lt3A_67 : i32
    %ne3A_69 = vector.broadcast %lt3A_68 : i1 to vector<2048x1xi1>
    %ne3A_70 = vector.broadcast %ne3A_69 : vector<2048x1xi1> to vector<2048x1xi1>
    %ne3A_71 = arith.xori %lt3A_66, %ne3A_70 : vector<2048x1xi1>
    %and3A_72 = arith.andi %ne3A_71, %ne3A_64 : vector<2048x1xi1>
    %add3A = vector.broadcast %select_n3A_59 : i32 to vector<2048x1xi32>
    %add3A_73 = arith.addi %rem3A_61, %add3A : vector<2048x1xi32>
    %select_n3A_74 = arith.select %and3A_72, %add3A_73, %rem3A_61 : vector<2048x1xi1>, vector<2048x1xi32>
    %get3A_75 = arith.constant 0 : index
    %get3A_76 = arith.constant 1 : index
    %get3A_77 = vector.load %arg3[%get3A_75, %get3A_76] : memref<2048x2xi32, #tpu.memory_space<vmem>>, vector<2048x1xi32>
    %jit3A_78 = arith.constant 128 : i32
    %div3A_79 = vector.broadcast %jit3A_78 : i32 to vector<2048x1xi32>
    %div3A_80 = arith.divsi %get3A_77, %div3A_79 : vector<2048x1xi32>
    %sign3A_81 = arith.constant 0 : i32
    %sign3A_82 = vector.broadcast %sign3A_81 : i32 to vector<2048x1xi32>
    %sign3A_83 = arith.cmpi sgt, %get3A_77, %sign3A_82 : vector<2048x1xi32>
    %sign3A_84 = arith.extui %sign3A_83 : vector<2048x1xi1> to vector<2048x1xi32>
    %sign3A_85 = arith.constant 0 : i32
    %sign3A_86 = vector.broadcast %sign3A_85 : i32 to vector<2048x1xi32>
    %sign3A_87 = arith.cmpi slt, %get3A_77, %sign3A_86 : vector<2048x1xi32>
    %sign3A_88 = arith.extui %sign3A_87 : vector<2048x1xi1> to vector<2048x1xi32>
    %sign3A_89 = arith.subi %sign3A_84, %sign3A_88 : vector<2048x1xi32>
    %sign3A_90 = arith.constant 0 : i32
    %sign3A_91 = arith.cmpi sgt, %jit3A_78, %sign3A_90 : i32
    %sign3A_92 = arith.extui %sign3A_91 : i1 to i32
    %sign3A_93 = arith.constant 0 : i32
    %sign3A_94 = arith.cmpi slt, %jit3A_78, %sign3A_93 : i32
    %sign3A_95 = arith.extui %sign3A_94 : i1 to i32
    %sign3A_96 = arith.subi %sign3A_92, %sign3A_95 : i32
    %ne3A_97 = vector.broadcast %sign3A_96 : i32 to vector<2048x1xi32>
    %ne3A_98 = arith.cmpi ne, %sign3A_89, %ne3A_97 : vector<2048x1xi32>
    %rem3A_99 = vector.broadcast %jit3A_78 : i32 to vector<2048x1xi32>
    %rem3A_100 = arith.remsi %get3A_77, %rem3A_99 : vector<2048x1xi32>
    %ne3A_101 = arith.constant 0 : i32
    %ne3A_102 = vector.broadcast %ne3A_101 : i32 to vector<2048x1xi32>
    %ne3A_103 = arith.cmpi ne, %rem3A_100, %ne3A_102 : vector<2048x1xi32>
    %and3A_104 = arith.andi %ne3A_98, %ne3A_103 : vector<2048x1xi1>
    %sub3A_105 = arith.constant 1 : i32
    %sub3A_106 = vector.broadcast %sub3A_105 : i32 to vector<2048x1xi32>
    %sub3A_107 = arith.subi %div3A_80, %sub3A_106 : vector<2048x1xi32>
    %select_n3A_108 = arith.select %and3A_104, %sub3A_107, %div3A_80 : vector<2048x1xi1>, vector<2048x1xi32>
    %jit3A_109 = arith.constant 4 : i32
    %eq3A_110 = arith.constant 0 : i32
    %eq3A_111 = arith.cmpi eq, %jit3A_109, %eq3A_110 : i32
    %jit3A_112 = arith.constant 1 : i32
    %select_n3A_113 = arith.select %eq3A_111, %jit3A_112, %jit3A_109 : i32
    %rem3A_114 = vector.broadcast %select_n3A_113 : i32 to vector<2048x1xi32>
    %rem3A_115 = arith.remsi %select_n3A_108, %rem3A_114 : vector<2048x1xi32>
    %ne3A_116 = arith.constant 0 : i32
    %ne3A_117 = vector.broadcast %ne3A_116 : i32 to vector<2048x1xi32>
    %ne3A_118 = arith.cmpi ne, %rem3A_115, %ne3A_117 : vector<2048x1xi32>
    %lt3A_119 = arith.constant 0 : i32
    %lt3A_120 = vector.broadcast %lt3A_119 : i32 to vector<2048x1xi32>
    %lt3A_121 = arith.cmpi slt, %rem3A_115, %lt3A_120 : vector<2048x1xi32>
    %lt3A_122 = arith.constant 0 : i32
    %lt3A_123 = arith.cmpi slt, %select_n3A_113, %lt3A_122 : i32
    %ne3A_124 = vector.broadcast %lt3A_123 : i1 to vector<2048x1xi1>
    %ne3A_125 = vector.broadcast %ne3A_124 : vector<2048x1xi1> to vector<2048x1xi1>
    %ne3A_126 = arith.xori %lt3A_121, %ne3A_125 : vector<2048x1xi1>
    %and3A_127 = arith.andi %ne3A_126, %ne3A_118 : vector<2048x1xi1>
    %add3A_128 = vector.broadcast %select_n3A_113 : i32 to vector<2048x1xi32>
    %add3A_129 = arith.addi %rem3A_115, %add3A_128 : vector<2048x1xi32>
    %select_n3A_130 = arith.select %and3A_127, %add3A_129, %rem3A_115 : vector<2048x1xi1>, vector<2048x1xi32>
    %eq3A_131 = vector.broadcast %select_n3A_74 : vector<2048x1xi32> to vector<2048x128xi32>
    %eq3A_132 = arith.cmpi eq, %select_n3A, %eq3A_131 : vector<2048x128xi32>
    %get3A_133 = arith.constant 0 : index
    %get3A_134 = arith.constant 0 : index
    %get3A_135 = vector.load %arg1[%get3A_133, %get3A_134] : memref<2048x128xf32, #tpu.memory_space<vmem>>, vector<2048x128xf32>
    %jit3A_136 = arith.constant 0.000000e+00 : f32
    %broadcast_in_dim3A = vector.broadcast %jit3A_136 : f32 to vector<2048x128xf32>
    %select_n3A_137 = arith.select %eq3A_132, %get3A_135, %broadcast_in_dim3A : vector<2048x128xi1>, vector<2048x128xf32>
    %eq3A_138 = vector.broadcast %select_n3A_130 : vector<2048x1xi32> to vector<2048x128xi32>
    %eq3A_139 = arith.cmpi eq, %select_n3A, %eq3A_138 : vector<2048x128xi32>
    %get3A_140 = arith.constant 0 : index
    %get3A_141 = arith.constant 0 : index
    %get3A_142 = vector.load %arg2[%get3A_140, %get3A_141] : memref<2048x128xf32, #tpu.memory_space<vmem>>, vector<2048x128xf32>
    %jit3A_143 = arith.constant 0.000000e+00 : f32
    %broadcast_in_dim3A_144 = vector.broadcast %jit3A_143 : f32 to vector<2048x128xf32>
    %select_n3A_145 = arith.select %eq3A_139, %get3A_142, %broadcast_in_dim3A_144 : vector<2048x128xi1>, vector<2048x128xf32>
    %get3A_146 = arith.constant 0 : index
    %get3A_147 = arith.constant 0 : index
    %get3A_148 = vector.load %arg4[%get3A_146, %get3A_147] : memref<128x64xf32, #tpu.memory_space<vmem>>, vector<128x64xf32>
    %dot_general3A = arith.constant dense<0.000000e+00> : vector<2048x64xf32>
    %dot_general3A_149 = tpu.matmul %select_n3A_137, %get3A_148, %dot_general3A {dimension_numbers = #tpu.dot_dimension_numbers<[1], [0], [0], [1], [0, 0, 1, 1], [], []>, transpose_lhs_hint = false} : vector<2048x128xf32>, vector<128x64xf32>, vector<2048x64xf32> -> vector<2048x64xf32>
    %get3A_150 = arith.constant 0 : index
    %get3A_151 = arith.constant 0 : index
    %get3A_152 = vector.load %arg5[%get3A_150, %get3A_151] : memref<128x64xf32, #tpu.memory_space<vmem>>, vector<128x64xf32>
    %dot_general3A_153 = arith.constant dense<0.000000e+00> : vector<2048x64xf32>
    %dot_general3A_154 = tpu.matmul %select_n3A_145, %get3A_152, %dot_general3A_153 {dimension_numbers = #tpu.dot_dimension_numbers<[1], [0], [0], [1], [0, 0, 1, 1], [], []>, transpose_lhs_hint = false} : vector<2048x128xf32>, vector<128x64xf32>, vector<2048x64xf32> -> vector<2048x64xf32>
    %add3A_155 = arith.addf %dot_general3A_149, %dot_general3A_154 : vector<2048x64xf32>
    %get3A_156 = arith.constant 0 : index
    %get3A_157 = arith.constant 0 : index
    %get3A_158 = vector.load %arg6[%get3A_156, %get3A_157] : memref<1x64xf32, #tpu.memory_space<vmem>>, vector<1x64xf32>
    %add3A_159 = vector.broadcast %get3A_158 : vector<1x64xf32> to vector<2048x64xf32>
    %add3A_160 = arith.addf %add3A_155, %add3A_159 : vector<2048x64xf32>
    %max3A = arith.constant 0.000000e+00 : f32
    %max3A_161 = vector.broadcast %max3A : f32 to vector<2048x64xf32>
    %max3A_162 = arith.maximumf %add3A_160, %max3A_161 : vector<2048x64xf32>
    %get3A_163 = arith.constant 0 : index
    %get3A_164 = arith.constant 0 : index
    %get3A_165 = vector.load %arg7[%get3A_163, %get3A_164] : memref<1x64xf32, #tpu.memory_space<vmem>>, vector<1x64xf32>
    %dot_general3A_166 = arith.constant dense<0.000000e+00> : vector<1x2048xf32>
    %dot_general3A_167 = tpu.matmul %get3A_165, %max3A_162, %dot_general3A_166 {dimension_numbers = #tpu.dot_dimension_numbers<[1], [1], [0], [0], [0, 0, 1, 0], [], []>, transpose_lhs_hint = false} : vector<1x64xf32>, vector<2048x64xf32>, vector<1x2048xf32> -> vector<1x2048xf32>
    %get3A_168 = arith.constant 0 : index
    %get3A_169 = arith.constant 0 : index
    %get3A_170 = vector.load %arg8[%get3A_168, %get3A_169] : memref<1x1xf32, #tpu.memory_space<vmem>>, vector<1x1xf32>
    %add3A_171 = vector.broadcast %get3A_170 : vector<1x1xf32> to vector<1x2048xf32>
    %add3A_172 = arith.addf %dot_general3A_167, %add3A_171 : vector<1x2048xf32>
    %logistic3A = arith.negf %add3A_172 : vector<1x2048xf32>
    %logistic3A_173 = math.exp %logistic3A : vector<1x2048xf32>
    %logistic3A_174 = arith.constant 1.000000e+00 : f32
    %logistic3A_175 = vector.broadcast %logistic3A_174 : f32 to vector<1x2048xf32>
    %logistic3A_176 = arith.addf %logistic3A_175, %logistic3A_173 : vector<1x2048xf32>
    %logistic3A_177 = arith.divf %logistic3A_175, %logistic3A_176 : vector<1x2048xf32>
    %swap3A = arith.constant 0 : index
    %swap3A_178 = arith.constant 0 : index
    %swap3A_179 = vector.load %arg9[%swap3A, %swap3A_178] : memref<1x2048xf32, #tpu.memory_space<vmem>>, vector<1x2048xf32>
    tpu.vector_store %arg9[%swap3A, %swap3A_178], %logistic3A_177 {strides = array<i32>} : memref<1x2048xf32, #tpu.memory_space<vmem>>, vector<1x2048xf32>,
    return
  }
  func.func @transform_0(%arg0: i32) -> (i32, i32) {
    %c0_i32 = arith.constant 0 : i32
    %c0_i32_0 = arith.constant 0 : i32
    return %arg0, %c0_i32 : i32, i32
  }
  func.func @transform_1(%arg0: i32) -> (i32, i32) {
    %c0_i32 = arith.constant 0 : i32
    %c0_i32_0 = arith.constant 0 : i32
    return %arg0, %c0_i32 : i32, i32
  }
  func.func @transform_2(%arg0: i32) -> (i32, i32) {
    %c0_i32 = arith.constant 0 : i32
    %c0_i32_0 = arith.constant 0 : i32
    return %arg0, %c0_i32 : i32, i32
  }
  func.func @transform_3(%arg0: i32) -> (i32, i32) {
    %c0_i32 = arith.constant 0 : i32
    %c0_i32_0 = arith.constant 0 : i32
    %c0_i32_1 = arith.constant 0 : i32
    return %c0_i32, %c0_i32_0 : i32, i32
  }
  func.func @transform_4(%arg0: i32) -> (i32, i32) {
    %c0_i32 = arith.constant 0 : i32
    %c0_i32_0 = arith.constant 0 : i32
    %c0_i32_1 = arith.constant 0 : i32
    return %c0_i32, %c0_i32_0 : i32, i32
  }
  func.func @transform_5(%arg0: i32) -> (i32, i32) {
    %c0_i32 = arith.constant 0 : i32
    %c0_i32_0 = arith.constant 0 : i32
    %c0_i32_1 = arith.constant 0 : i32
    return %c0_i32, %c0_i32_0 : i32, i32
  }
  func.func @transform_6(%arg0: i32) -> (i32, i32) {
    %c0_i32 = arith.constant 0 : i32
    %c0_i32_0 = arith.constant 0 : i32
    %c0_i32_1 = arith.constant 0 : i32
    return %c0_i32, %c0_i32_0 : i32, i32
  }
  func.func @transform_7(%arg0: i32) -> (i32, i32) {
    %c0_i32 = arith.constant 0 : i32
    %c0_i32_0 = arith.constant 0 : i32
    %c0_i32_1 = arith.constant 0 : i32
    return %c0_i32, %c0_i32_0 : i32, i32
  }
  func.func @transform_8(%arg0: i32) -> (i32, i32) {
    %c0_i32 = arith.constant 0 : i32
    %c0_i32_0 = arith.constant 0 : i32
    return %c0_i32, %arg0 : i32, i32
  }
}

</mosaic_0001>

<sc_bundles>
// kernel: kernel.10.cloned.1.call-start
scs
__scs_entry_jumppad:
0x0: {  	(pc) =	sbr.rel $0x88, $3  }
0x1: {  	(tag) =	ssettag $0x0;
	lr =	simm.s32 $0x1  }
0x2: {  	[smem:$0x3F99] =	sst lr;
	_ =	strace $0xD0000000  }
0x3: {  	_ = 	snop  }
0x4: {  	_ = 	snop  }
0x5: {  	_ = 	snop  }
0x6: {  	_ = 	snop  }
0x7: {  	_ = 	snop  }
__scs_overlays_trampoline_lowered:
0x8: {  	[smem:$0x3FA8] =	sst s0  }
0x9: {  	[smem:$0x3FA9] =	sst s1  }
0xa: {  	[smem:$0x3FAA] =	sst s2  }
0xb: {  	[smem:$0x3FAB] =	sst s3  }
0xc: {  	[smem:$0x3FAC] =	sst s4  }
0xd: {  	[smem:$0x3FAD] =	sst s5  }
0xe: {  	[smem:$0x3FAE] =	sst s6  }
0xf: {  	[smem:$0x3FAF] =	sst s7  }
0x10: {  	[smem:$0x3FB0] =	sst s8  }
0x11: {  	[smem:$0x3FB1] =	sst s9;
	s0 =	simm.s32 @!p0 $0x0  }
0x12: {  	s1 =	sld [smem:$0x3F97];
	s0 =	simm.s32 @p0 $0x1  }
0x13: {  	[smem:$0x3FB2] =	sst s0;
	s0 =	simm.s32 @!p1 $0x0  }
0x14: {  	s2 =	sld [smem:$0x3F96];
	s0 =	simm.s32 @p1 $0x1  }
0x15: {  	[smem:$0x3FB3] =	sst s0;
	s0 =	simm.s32 @!p2 $0x0  }
0x16: {  	s3 =	sld [smem:$0x3FDB];
	s0 =	simm.s32 @p2 $0x1  }
0x17: {  	s4 =	simm.s32 $0x1BF5;
	[smem:$0x3FB5] =	sst s0  }
0x18: {  	s0 =	sld [smem:$0x3F98];
	_ =	swait.ge [sflag:s4], $0x0  }
0x19: {  	s7 =	sld [smem:$0x3F99]  }
0x1a: {  	s8 =	sadd.s32 $0xFFFFE003, lr  }
0x1b: {  	s9 =	sadd.s32 $0xFFFFFEF7, lr;
	s5 =	simm.s32 $0xFFFFFFFF;
	p2 =	slt.u32 s8, $0xFFFFF086  }
0x1c: {  	p1 =	slt.u32 s9, $0xF7A;
	s5 =	simm.s32 @!p2 $0x0  }
0x1d: {  	s5 =	simm.s32 @p1 $0x1;
	p0 =	seq.s32 s7, s2  }
0x1e: {  	s7 =	smul.u32 @!p0 $0xF7A, s2;
	p2 =	seq.s32 @!p0 s5, $0x0  }
0x1f: {  	s9 =	smul.u32 $0xF7A, s1;
	s8 =	simm.s32 @!p0 $0x1BF5;
	p2 =	por !p2, p0  }
0x20: {  	[sflag:s8] =	ssyncset.s32 @!p0 $0xFFFFF086;
	s6 =	sadd.s32 @!p0 s3, s7;
	s7 =	simm.s32 @!p0 $0x108  }
0x21: {  	s3 =	sadd.s32 s3, s9;
	s6 =	sadd.s32 @!p0 $0x88, s6;
	s7 =	simm.s32 @p2 $0x1082  }
0x22: {  	[simem:s7], [sflag:s8] =	dma.local @!p0 [hbm:s6], $0xF7A  }
0x23: {  	s9 =	sor.u32 $0xD0000000, s2;
	s6 =	simm.s32 $0x108;
	_ =	swait.ge @!p0 [sflag:s8], $0x0  }
0x24: {  	s3 =	sadd.s32 $0x88, s3;
	s6 =	simm.s32 @!p1 $0x1082;
	[sflag:s4] =	ssyncset.s32 $0xFFFFF086  }
0x25: {  	[simem:s6], [sflag:s4] =	dma.local [hbm:s3], $0xF7A  }
0x26: {  	[smem:$0x3F99] =	sst s1;
	(tag) =	ssettag s2;
	_ =	strace s9  }
0x27: {  	s1 =	sld [smem:$0x3FA9]  }
0x28: {  	s2 =	sld [smem:$0x3FAA]  }
0x29: {  	s4 =	sld [smem:$0x3FAC]  }
0x2a: {  	p0 =	seq.s32 s5, $0x0;
	s5 =	sld [smem:$0x3FAD]  }
0x2b: {  	s6 =	sld [smem:$0x3FAE]  }
0x2c: {  	s7 =	sld [smem:$0x3FAF]  }
0x2d: {  	s3 =	simm.s32 $0x108;
	s8 =	sld [smem:$0x3FB0]  }
0x2e: {  	s3 =	simm.s32 @!p0 $0x1082;
	s9 =	sld [smem:$0x3FB1]  }
0x2f: {  	lr =	sadd.s32 s0, s3;
	s0 =	sld [smem:$0x3FA8]  }
0x30: {  	s3 =	sld [smem:$0x3FAB]  }
0x31: {  	[smem:$0x3FB4] =	sst s10  }
0x32: {  	s10 =	sld [smem:$0x3FB2];
	_ =	sdelay $0x3  }
0x33: {  	p0 =	seq.s32 s10, $0x1;
	s10 =	sld [smem:$0x3FB4];
	_ =	sdelay $0x3  }
0x34: {  	[smem:$0x3FB4] =	sst s10  }
0x35: {  	s10 =	sld [smem:$0x3FB3];
	_ =	sdelay $0x3  }
0x36: {  	p1 =	seq.s32 s10, $0x1;
	s10 =	sld [smem:$0x3FB4];
	_ =	sdelay $0x3  }
0x37: {  	[smem:$0x3FB4] =	sst s10  }
0x38: {  	s10 =	sld [smem:$0x3FB5]  }
0x39: {  	_ = 	snop;
	(pc) =	sbr.ind lr, $3  }
0x3a: {  	_ = 	snop  }
0x3b: {  	_ = 	snop  }
0x3c: {  	p2 =	seq.s32 s10, $0x1;
	s10 =	sld [smem:$0x3FB4]  }
0x3d: {  	_ =	shalt  }
0x3e: {  	_ =	shalt  }
0x3f: {  	_ =	shalt  }
0x40: {  	_ =	shalt  }
0x41: {  	_ =	shalt  }
0x42: {  	_ =	shalt  }
0x43: {  	_ =	shalt  }
0x44: {  	_ =	shalt  }
0x45: {  	_ =	shalt  }
0x46: {  	_ =	shalt  }
0x47: {  	_ =	shalt  }
0x48: {  	_ =	shalt  }
0x49: {  	_ =	shalt  }
0x4a: {  	_ =	shalt  }
0x4b: {  	_ =	shalt  }
0x4c: {  	_ =	shalt  }
0x4d: {  	_ =	shalt  }
0x4e: {  	_ =	shalt  }
0x4f: {  	_ =	shalt  }
0x50: {  	_ =	shalt  }
0x51: {  	_ =	shalt  }
0x52: {  	_ =	shalt  }
0x53: {  	_ =	shalt  }
0x54: {  	_ =	shalt  }
0x55: {  	_ =	shalt  }
0x56: {  	_ =	shalt  }
0x57: {  	_ =	shalt  }
0x58: {  	_ =	shalt  }
0x59: {  	_ =	shalt  }
0x5a: {  	_ =	shalt  }
0x5b: {  	_ =	shalt  }
0x5c: {  	_ =	shalt  }
0x5d: {  	_ =	shalt  }
0x5e: {  	_ =	shalt  }
0x5f: {  	_ =	shalt  }
0x60: {  	_ =	shalt  }
0x61: {  	_ =	shalt  }
0x62: {  	_ =	shalt  }
0x63: {  	_ =	shalt  }
0x64: {  	_ =	shalt  }
0x65: {  	_ =	shalt  }
0x66: {  	_ =	shalt  }
0x67: {  	_ =	shalt  }
0x68: {  	_ =	shalt  }
0x69: {  	_ =	shalt  }
0x6a: {  	_ =	shalt  }
0x6b: {  	_ =	shalt  }
0x6c: {  	_ =	shalt  }
0x6d: {  	_ =	shalt  }
0x6e: {  	_ =	shalt  }
0x6f: {  	_ =	shalt  }
0x70: {  	_ =	shalt  }
0x71: {  	_ =	shalt  }
0x72: {  	_ =	shalt  }
0x73: {  	_ =	shalt  }
0x74: {  	_ =	shalt  }
0x75: {  	_ =	shalt  }
0x76: {  	_ =	shalt  }
0x77: {  	_ =	shalt  }
0x78: {  	_ =	shalt  }
0x79: {  	_ =	shalt  }
0x7a: {  	_ =	shalt  }
0x7b: {  	_ =	shalt  }
0x7c: {  	_ =	shalt  }
0x7d: {  	_ =	shalt  }
0x7e: {  	_ =	shalt  }
0x7f: {  	_ =	shalt  }
0x80: {  	_ =	shalt  }
0x81: {  	_ =	shalt  }
0x82: {  	_ =	shalt  }
0x83: {  	_ =	shalt  }
0x84: {  	_ =	shalt  }
0x85: {  	_ =	shalt  }
0x86: {  	_ =	shalt  }
0x87: {  	_ =	shalt  }
.Lfunc_end0:
.L_simem_size_0:
called_computation.1_lowered:
.L_overlay_start_0:
0x88: {  	s2 =	sld [smem:$0x3FD9]  }
0x89: {  	s3 =	sld [smem:$0x3FFE];
	_ =	sdelay $0x1  }
0x8a: {  	s1 =	srdreg.scid  }
0x8b: {  	s0 =	sand.u32 $0x1, s1  }
0x8c: {  	s17 =	sshll.u32 s0, $0xA;
	s2 =	sadd.s32 s3, s2  }
0x8d: {  	s2 =	sadd.s32 s2, s17  }
0x8e: {  	[smem:$0x3FC0] =	sst s2  }
0x8f: {  	_ = 	snop  }
0x90: {  	(tm) =	ssettm $0x1  }
0x91: {  	s18 =	sld [smem:$0x3FFB];
	_ =	sdelay $0x3  }
0x92: {  	_ =	strace s18  }
0x93: {  	s2 =	sld [smem:$0x3FFC];
	_ =	sdelay $0x3  }
0x94: {  	_ =	strace s2  }
0x95: {  	s2 =	sld [smem:$0x3FFD];
	_ =	sdelay $0x3  }
0x96: {  	_ =	strace s2  }
0x97: {  	_ =	strace $0x8FFFFFFF  }
0x98: {  	s19 =	sld [smem:$0x3FDB];
	_ =	sdelay $0x1  }
0x99: {  	s20 =	simm.s32 $_scs_section_size  }
0x9a: {  	s4 =	simm.s32 $_size__tile_overlayer_lowered;
	s5 =	simm.s32 $_tile_overlayer_lowered  }
0x9b: {  	s6 =	simm.s32 $0x1BFF;
	s21 =	sshll.u32 s5, $0x1;
	s3 =	sadd.s32 s20, s19  }
0x9c: {  	s22 =	simm.s32 $0x0;
	s4 =	sshll.u32 s4, $0x1;
	s5 =	sadd.s32 s21, s3  }
0x9d: {  	[timem:s22], [sflag:s6] =	dma.local [hbm:s5], s4  }
0x9e: {  	_ =	swait.ge [sflag:s6], s4  }
0x9f: {  	s4 =	ssub.s32 $0x0, s4;
	[sflag:s6] =	ssyncset.done $0x0  }
0xa0: {  	[sflag:s6] =	ssyncadd.s32 s4;
	_ =	sdelay $0x1  }
0xa1: {  	s23 =	simm.s32 $0x1B8B  }
0xa2: {  	_ =	swait.ge [sflag:s23], $0x1  }
0xa3: {  	[sflag:s23] =	ssyncset.done $0x0  }
0xa4: {  	[sflag:s23] =	ssyncadd.s32 $0xFFFFFFFF  }
0xa5: {  	s4 =	sld [smem:$0x0]  }
0xa6: {  	s5 =	sand.u32 $0xFFFFFFFE, s1  }
0xa7: {  	p0 =	sne.s32 s1, s5  }
0xa8: {  	s5 =	sshll.u32 @p0 s5, $0xE  }
0xa9: {  	s5 =	sadd.s32 @p0 $0x11B8D, s5;
	s6 =	sshll.u32 @p0 s4, $0x11  }
0xaa: {  	s5 =	sor.u32 @p0 s6, s5  }
0xab: {  	[sflag:s5] =	ssyncadd.remote.s32 @p0 $0x1;
	_ =	sdelay $0x1  }
0xac: {  	s5 =	simm.s32 @p0 $0x1B8D  }
0xad: {  	_ =	swait.eq @p0 [sflag:s5], $0x1  }
0xae: {  	[sflag:s5] =	ssyncadd.s32 @p0 $0xFFFFFFFF  }
0xaf: {  	s6 =	sshll.u32 @!p0 s1, $0xE  }
0xb0: {  	s6 =	sor.u32 @!p0 $0x4000, s6;
	s5 =	simm.s32 @!p0 $0x1B8D  }
0xb1: {  	s4 =	sshll.u32 @!p0 s4, $0x11;
	s6 =	sadd.s32 @!p0 $0x11B8D, s6;
	_ =	swait.eq @!p0 [sflag:s5], $0x1  }
0xb2: {  	s4 =	sor.u32 @!p0 s4, s6;
	[sflag:s5] =	ssyncadd.s32 @!p0 $0xFFFFFFFF  }
0xb3: {  	s25 =	simm.s32 $0x1B8E;
	s24 =	sld [smem:$0x3FFE];
	[sflag:s4] =	ssyncadd.remote.s32 @!p0 $0x1  }
0xb4: {  	s26 =	simm.s32 $execute0_lowered;
	[smem:$0x3FD2] =	sst s25  }
0xb5: {  	s5 =	sshll.u32 s26, $0x1;
	_ =	strace $0x80000049;
	[dreg:$0x1] =	wrdreg $0xFFFFFFFF  }
0xb6: {  	s28 =	simm.s32 $_size_execute0_lowered;
	s3 =	sadd.s32 s3, s5;
	[dreg:$0x0] =	wrdreg $0x0  }
0xb7: {  	s5 =	sshll.u32 s28, $0x1;
	[dreg:$0x2] =	wrdreg s3  }
0xb8: {  	[dreg:$0x3] =	wrdreg s5  }
0xb9: {  	[dreg:$0x4] =	wrdreg $0xC0  }
0xba: {  	_ =	task [dreg:s22], $0x5FFFF  }
0xbb: {  	[dreg:$0x1] =	wrdreg $0xFFFFFFFF  }
0xbc: {  	[dreg:$0x0] =	wrdreg $0x60  }
0xbd: {  	[dreg:$0x2] =	wrdreg s24  }
0xbe: {  	[dreg:$0x3] =	wrdreg $0xA  }
0xbf: {  	_ =	task.clear_ibuf [dreg:s22], $0x4FFFF;
	_ =	strace $0x90000049  }
0xc0: {  	s29 =	simm.s32 $0xA;
	_ =	strace $0x8000004B  }
0xc1: {  	_ =	swait.ge [sflag:s29], $0x1  }
0xc2: {  	[sflag:s29] =	ssyncadd.s32 $0xFFFFFFFF  }
0xc3: {  	_ =	strace $0x9000004B  }
0xc4: {  	_ =	sfence  }
0xc5: {  	s30 =	sld [smem:$0x0];
	_ =	sdelay $0x2  }
0xc6: {  	s31 =	sshll.u32 s1, $0xD;
	s1 =	sshrl.u32 s1, $0x2  }
0xc7: {  	s4 =	sand.u32 $0x4000, s31;
	s1 =	sadd.s32 s1, s30  }
0xc8: {  	s0 =	sor.u32 s4, s0;
	s1 =	sshll.u32 s1, $0x11  }
0xc9: {  	s0 =	sor.u32 s1, s0  }
0xca: {  	s0 =	sadd.s32 $0x8F2B, s0  }
0xcb: {  	[sflag:s0] =	ssyncadd.remote.s32 $0x1  }
0xcc: {  	_ =	sfence.sel $0xFFFF  }
0xcd: {  	[dreg:$0x0] =	wrdreg $0xFFFFFFFF;
	(pc) =	sbr.abs _section_cstart, $3  }
0xce: {  	[dreg:$0x1] =	wrdreg $0xFFFFFFFF  }
0xcf: {  	_ =	task.clear_ibuf [dreg:s22], $0x2FFFF;
	_ =	strace $0x9FFFFFFF  }
0xd0: {  	(tm) =	ssettm $0x7FFFFFFF  }
0xd1: {  	_ =	shalt  }
tec
execute0_lowered:
.L_overlay_start_1:
0x0: {  	(tag) =	ssettag $0x1  }
0x1: {  	s0 =	srdreg.scid  }
0x2: {  	s12 =	rddreg [dreg:$0x0];
	s17 =	sand.u32 $0x1, s0  }
0x3: {  	s1 =	stileid.u32;
	s2 =	simm.s32 $0x0;
	s3 =	sshll.u32 s17, $0x6  }
0x4: {  	s0 =	rddreg [dreg:$0x1];
	s4 =	sshll.u32 s1, $0x7;
	s3 =	sadd.s32 s3, s12  }
0x5: {  	[smem:$0x7FF] =	sst s2;
	s3 =	sadd.s32 s4, s3  }
0x6: {  	_ =	strace $0x8000004A;
	s4 =	simm.s32 $0x3;
	s3 =	sadd.s32 $0x801800, s3  }
0x7: {  	[tilespmem:s2], [sflag:$0x3] =	stream.linear.gather [hbm4b:s3+s2], $0x200, $0x38;
	[tilespmem:$0xC200] =	vst v63  }
0x8: {  	_ =	swait.ge [sflag:s4], $0x200  }
0x9: {  	s6 =	simm.s32 $0x80;
	[sflag:s4] =	ssyncset.done $0x0  }
0xa: {  	s7 =	simm.s32 $0x200;
	s5 =	sadd.s32 $0x421800, s12;
	[sflag:s4] =	ssyncadd.s32 $0xFFFFFE00  }
0xb: {  	[tilespmem:s7], [sflag:$0x1] =	stream.indirect.gather [hbm4b:s5+s6], $0x80, s2, s6, $0xb8;
	[tilespmem:$0xC200] =	vst v63  }
0xc: {  	s8 =	simm.s32 $0x4200;
	s9 =	simm.s32 $0x100;
	s10 =	simm.s32 $0x8200  }
0xd: {  	[tilespmem:s8], [sflag:$0x1] =	stream.indirect.gather [hbm4b:s5+s6], $0x80, s6, s6, $0xb8;
	[tilespmem:$0xC200] =	vst v63  }
0xe: {  	s11 =	simm.s32 $0x1;
	s13 =	sshll.u32 s1, $0xE;
	s14 =	sshll.u32 s17, $0xD  }
0xf: {  	[tilespmem:s10], [sflag:$0x1] =	stream.indirect.gather [hbm4b:s5+s6], $0x80, s9, s6, $0xb8;
	[tilespmem:$0xC200] =	vst v63  }
0x10: {  	s13 =	sor.u32 s14, s13;
	_ =	swait.ge [sflag:s11], $0x4000  }
0x11: {  	s18 =	sadd.s32 s13, s12;
	[sflag:s11] =	ssyncset.done $0x0  }
0x12: {  	s12 =	simm.s32 $0x2;
	s13 =	sadd.s32 $0x802000, s18;
	[sflag:s11] =	ssyncadd.s32 $0xFFFFC000  }
0x13: {  	[hbm4b:s13+s2] =	stream.linear.scatter [tilespmem:s7], [sflag:$0x2], $0x4000, $0x38;
	[tilespmem:$0xC200] =	vst v63  }
0x14: {  	_ =	swait.ge [sflag:s12], $0x4000  }
0x15: {  	[sflag:s12] =	ssyncset.done $0x0  }
0x16: {  	s14 =	simm.s32 $0x180;
	[sflag:s12] =	ssyncadd.s32 $0xFFFFC000  }
0x17: {  	[tilespmem:s7], [sflag:$0x1] =	stream.indirect.gather [hbm4b:s5+s6], $0x80, s14, s6, $0xb8;
	[tilespmem:$0xC200] =	vst v63  }
0x18: {  	_ =	swait.ge [sflag:s11], $0x4000  }
0x19: {  	[sflag:s11] =	ssyncset.done $0x0  }
0x1a: {  	s15 =	sadd.s32 $0x802800, s18;
	[sflag:s11] =	ssyncadd.s32 $0xFFFFC000  }
0x1b: {  	[hbm4b:s15+s2] =	stream.linear.scatter [tilespmem:s8], [sflag:$0x2], $0x4000, $0x38;
	[tilespmem:$0xC200] =	vst v63  }
0x1c: {  	_ =	swait.ge [sflag:s11], $0x4000  }
0x1d: {  	s19 =	ssub.s32 $0x2, s17;
	[sflag:s11] =	ssyncset.done $0x0  }
0x1e: {  	s31 =	sshrl.u32 s19, $0x1;
	s16 =	sadd.s32 $0x803000, s18;
	[sflag:s11] =	ssyncadd.s32 $0xFFFFC000  }
0x1f: {  	[hbm4b:s16+s2] =	stream.linear.scatter [tilespmem:s10], [sflag:$0x2], $0x4000, $0x38;
	[tilespmem:$0xC200] =	vst v63  }
0x20: {  	s17 =	sadd.s32 $0x803800, s18;
	s18 =	ssub.s32 s19, s31;
	_ =	swait.ge [sflag:s11], $0x4000  }
0x21: {  	s18 =	smax.u32 s18, $0x1;
	[sflag:s11] =	ssyncset.done $0x0  }
0x22: {  	p0 =	sne.s32 s18, $0x1;
	[sflag:s11] =	ssyncadd.s32 $0xFFFFC000  }
0x23: {  	[hbm4b:s17+s2] =	stream.linear.scatter [tilespmem:s7], [sflag:$0x2], $0x4000, $0x38;
	[tilespmem:$0xC200] =	vst v63  }
.Ltmp0:
0x24: {  	_ =	swait.ge [sflag:s12], $0x4000;
	(pc) =	sbr.rel @!p0 .LBB2_2-.Ltmp0, $4  }
0x25: {  	[sflag:s12] =	ssyncset.done $0x0  }
0x26: {  	[sflag:s12] =	ssyncadd.s32 $0xFFFFC000  }
0x27: {  	_ =	swait.ge [sflag:s12], $0x4000  }
0x28: {  	s18 =	sadd.s32 $0xFFFFFFFF, s18;
	[sflag:s12] =	ssyncset.done $0x0  }
.LBB2_1:
0x29: {  	p0 =	sne.s32 s18, $0x1;
	s18 =	sadd.s32 $0xFFFFFFFF, s18;
	[sflag:s12] =	ssyncadd.s32 $0xFFFFC000  }
0x2a: {  	[tilespmem:s2], [sflag:$0x3] =	stream.linear.gather [hbm4b:s3+s2], $0x200, $0x38;
	[tilespmem:$0xC200] =	vst v63  }
0x2b: {  	_ =	swait.ge [sflag:s4], $0x200  }
0x2c: {  	[sflag:s4] =	ssyncset.done $0x0  }
0x2d: {  	[sflag:s4] =	ssyncadd.s32 $0xFFFFFE00  }
0x2e: {  	[tilespmem:s7], [sflag:$0x1] =	stream.indirect.gather [hbm4b:s5+s6], $0x80, s2, s6, $0xb8;
	[tilespmem:$0xC200] =	vst v63  }
0x2f: {  	_ = 	snop  }
0x30: {  	[tilespmem:s8], [sflag:$0x1] =	stream.indirect.gather [hbm4b:s5+s6], $0x80, s6, s6, $0xb8;
	[tilespmem:$0xC200] =	vst v63  }
0x31: {  	_ = 	snop  }
0x32: {  	[tilespmem:s10], [sflag:$0x1] =	stream.indirect.gather [hbm4b:s5+s6], $0x80, s9, s6, $0xb8;
	[tilespmem:$0xC200] =	vst v63  }
0x33: {  	_ =	swait.ge [sflag:s11], $0x4000  }
0x34: {  	[sflag:s11] =	ssyncset.done $0x0  }
0x35: {  	[sflag:s11] =	ssyncadd.s32 $0xFFFFC000  }
0x36: {  	[hbm4b:s13+s2] =	stream.linear.scatter [tilespmem:s7], [sflag:$0x2], $0x4000, $0x38;
	[tilespmem:$0xC200] =	vst v63  }
0x37: {  	_ =	swait.ge [sflag:s12], $0x4000  }
0x38: {  	[sflag:s12] =	ssyncset.done $0x0  }
0x39: {  	[sflag:s12] =	ssyncadd.s32 $0xFFFFC000  }
0x3a: {  	[tilespmem:s7], [sflag:$0x1] =	stream.indirect.gather [hbm4b:s5+s6], $0x80, s14, s6, $0xb8;
	[tilespmem:$0xC200] =	vst v63  }
0x3b: {  	_ =	swait.ge [sflag:s11], $0x4000  }
0x3c: {  	[sflag:s11] =	ssyncset.done $0x0  }
0x3d: {  	[sflag:s11] =	ssyncadd.s32 $0xFFFFC000  }
0x3e: {  	[hbm4b:s15+s2] =	stream.linear.scatter [tilespmem:s8], [sflag:$0x2], $0x4000, $0x38;
	[tilespmem:$0xC200] =	vst v63  }
0x3f: {  	_ =	swait.ge [sflag:s11], $0x4000  }
0x40: {  	[sflag:s11] =	ssyncset.done $0x0  }
0x41: {  	[sflag:s11] =	ssyncadd.s32 $0xFFFFC000  }
0x42: {  	[hbm4b:s16+s2] =	stream.linear.scatter [tilespmem:s10], [sflag:$0x2], $0x4000, $0x38;
	[tilespmem:$0xC200] =	vst v63  }
0x43: {  	_ =	swait.ge [sflag:s11], $0x4000  }
0x44: {  	[sflag:s11] =	ssyncset.done $0x0  }
0x45: {  	[sflag:s11] =	ssyncadd.s32 $0xFFFFC000  }
0x46: {  	[hbm4b:s17+s2] =	stream.linear.scatter [tilespmem:s7], [sflag:$0x2], $0x4000, $0x38;
	[tilespmem:$0xC200] =	vst v63  }
.Ltmp1:
0x47: {  	_ =	swait.ge [sflag:s12], $0x4000;
	(pc) =	sbr.rel @p0 .LBB2_1-.Ltmp1, $4  }
0x48: {  	[sflag:s12] =	ssyncset.done $0x0  }
0x49: {  	[sflag:s12] =	ssyncadd.s32 $0xFFFFC000  }
0x4a: {  	_ =	swait.ge [sflag:s12], $0x4000  }
0x4b: {  	[sflag:s12] =	ssyncset.done $0x0  }
.LBB2_2:
0x4c: {  	[sflag:s12] =	ssyncadd.s32 $0xFFFFC000  }
0x4d: {  	_ =	sfence.sel $0x180000  }
0x4e: {  	[bflag:$0x0] =	sbarrier.arrive $0xFFFF  }
0x4f: {  	p0 =	sne.s32 s1, $0x0;
	_ =	strace $0x9000004A  }
0x50: {  	s0 =	sadd.s32 @!p0 $0x100000, s0;
	[bflag:$0x2] =	sbarrier.arrive $0xFFFF  }
0x51: {  	[sflag:s0] =	ssyncadd.tile.s32 @!p0 $0x1;
	_ =	shalt  }
.Lfunc_end2:
_tile_overlayer_lowered:
.L_overlay_start_2:
0x52: {  	(tag) =	ssettag $0x2  }
0x53: {  	s0 =	rddreg [dreg:$0x0];
	s2 =	stileid.u32  }
0x54: {  	s1 =	rddreg [dreg:$0x1];
	p0 =	sne.s32 s2, $0x0  }
0x55: {  	s3 =	rddreg [dreg:$0x2];
	[bflag:$0x3] =	sbarrier.arrive $0xFFFF;
	s2 =	simm.s32 @!p0 $0x1C03  }
0x56: {  	[timem:s3], [sflag:s2] =	dma.local @!p0 [hbm:s0], s1  }
0x57: {  	s0 =	simm.s32 @!p0 $0x3  }
0x58: {  	_ =	swait.ge @!p0 [sflag:s0], s1  }
0x59: {  	s1 =	ssub.s32 @!p0 $0x0, s1;
	[sflag:s0] =	ssyncset.done @!p0 $0x0  }
0x5a: {  	[sflag:s0] =	ssyncadd.s32 @!p0 s1  }
0x5b: {  	[bflag:$0x3] =	sbarrier.arrive $0xFFFF  }
0x5c: {  	_ =	shalt  }

// kernel: kernel.7.cloned.1.call-start
scs
__scs_entry_jumppad:
0x0: {  	(pc) =	sbr.rel $0x88, $3  }
0x1: {  	(tag) =	ssettag $0x0;
	lr =	simm.s32 $0x1  }
0x2: {  	[smem:$0x3F99] =	sst lr;
	_ =	strace $0xD0000000  }
0x3: {  	_ = 	snop  }
0x4: {  	_ = 	snop  }
0x5: {  	_ = 	snop  }
0x6: {  	_ = 	snop  }
0x7: {  	_ = 	snop  }
__scs_overlays_trampoline_lowered:
0x8: {  	[smem:$0x3FA8] =	sst s0  }
0x9: {  	[smem:$0x3FA9] =	sst s1  }
0xa: {  	[smem:$0x3FAA] =	sst s2  }
0xb: {  	[smem:$0x3FAB] =	sst s3  }
0xc: {  	[smem:$0x3FAC] =	sst s4  }
0xd: {  	[smem:$0x3FAD] =	sst s5  }
0xe: {  	[smem:$0x3FAE] =	sst s6  }
0xf: {  	[smem:$0x3FAF] =	sst s7  }
0x10: {  	[smem:$0x3FB0] =	sst s8  }
0x11: {  	[smem:$0x3FB1] =	sst s9;
	s0 =	simm.s32 @!p0 $0x0  }
0x12: {  	s1 =	sld [smem:$0x3F97];
	s0 =	simm.s32 @p0 $0x1  }
0x13: {  	[smem:$0x3FB2] =	sst s0;
	s0 =	simm.s32 @!p1 $0x0  }
0x14: {  	s2 =	sld [smem:$0x3F96];
	s0 =	simm.s32 @p1 $0x1  }
0x15: {  	[smem:$0x3FB3] =	sst s0;
	s0 =	simm.s32 @!p2 $0x0  }
0x16: {  	s3 =	sld [smem:$0x3FDB];
	s0 =	simm.s32 @p2 $0x1  }
0x17: {  	s4 =	simm.s32 $0x1BF5;
	[smem:$0x3FB5] =	sst s0  }
0x18: {  	s0 =	sld [smem:$0x3F98];
	_ =	swait.ge [sflag:s4], $0x0  }
0x19: {  	s7 =	sld [smem:$0x3F99]  }
0x1a: {  	s8 =	sadd.s32 $0xFFFFE003, lr  }
0x1b: {  	s9 =	sadd.s32 $0xFFFFFEF7, lr;
	s5 =	simm.s32 $0xFFFFFFFF;
	p2 =	slt.u32 s8, $0xFFFFF086  }
0x1c: {  	p1 =	slt.u32 s9, $0xF7A;
	s5 =	simm.s32 @!p2 $0x0  }
0x1d: {  	s5 =	simm.s32 @p1 $0x1;
	p0 =	seq.s32 s7, s2  }
0x1e: {  	s7 =	smul.u32 @!p0 $0xF7A, s2;
	p2 =	seq.s32 @!p0 s5, $0x0  }
0x1f: {  	s9 =	smul.u32 $0xF7A, s1;
	s8 =	simm.s32 @!p0 $0x1BF5;
	p2 =	por !p2, p0  }
0x20: {  	[sflag:s8] =	ssyncset.s32 @!p0 $0xFFFFF086;
	s6 =	sadd.s32 @!p0 s3, s7;
	s7 =	simm.s32 @!p0 $0x108  }
0x21: {  	s3 =	sadd.s32 s3, s9;
	s6 =	sadd.s32 @!p0 $0x88, s6;
	s7 =	simm.s32 @p2 $0x1082  }
0x22: {  	[simem:s7], [sflag:s8] =	dma.local @!p0 [hbm:s6], $0xF7A  }
0x23: {  	s9 =	sor.u32 $0xD0000000, s2;
	s6 =	simm.s32 $0x108;
	_ =	swait.ge @!p0 [sflag:s8], $0x0  }
0x24: {  	s3 =	sadd.s32 $0x88, s3;
	s6 =	simm.s32 @!p1 $0x1082;
	[sflag:s4] =	ssyncset.s32 $0xFFFFF086  }
0x25: {  	[simem:s6], [sflag:s4] =	dma.local [hbm:s3], $0xF7A  }
0x26: {  	[smem:$0x3F99] =	sst s1;
	(tag) =	ssettag s2;
	_ =	strace s9  }
0x27: {  	s1 =	sld [smem:$0x3FA9]  }
0x28: {  	s2 =	sld [smem:$0x3FAA]  }
0x29: {  	s4 =	sld [smem:$0x3FAC]  }
0x2a: {  	p0 =	seq.s32 s5, $0x0;
	s5 =	sld [smem:$0x3FAD]  }
0x2b: {  	s6 =	sld [smem:$0x3FAE]  }
0x2c: {  	s7 =	sld [smem:$0x3FAF]  }
0x2d: {  	s3 =	simm.s32 $0x108;
	s8 =	sld [smem:$0x3FB0]  }
0x2e: {  	s3 =	simm.s32 @!p0 $0x1082;
	s9 =	sld [smem:$0x3FB1]  }
0x2f: {  	lr =	sadd.s32 s0, s3;
	s0 =	sld [smem:$0x3FA8]  }
0x30: {  	s3 =	sld [smem:$0x3FAB]  }
0x31: {  	[smem:$0x3FB4] =	sst s10  }
0x32: {  	s10 =	sld [smem:$0x3FB2];
	_ =	sdelay $0x3  }
0x33: {  	p0 =	seq.s32 s10, $0x1;
	s10 =	sld [smem:$0x3FB4];
	_ =	sdelay $0x3  }
0x34: {  	[smem:$0x3FB4] =	sst s10  }
0x35: {  	s10 =	sld [smem:$0x3FB3];
	_ =	sdelay $0x3  }
0x36: {  	p1 =	seq.s32 s10, $0x1;
	s10 =	sld [smem:$0x3FB4];
	_ =	sdelay $0x3  }
0x37: {  	[smem:$0x3FB4] =	sst s10  }
0x38: {  	s10 =	sld [smem:$0x3FB5]  }
0x39: {  	_ = 	snop;
	(pc) =	sbr.ind lr, $3  }
0x3a: {  	_ = 	snop  }
0x3b: {  	_ = 	snop  }
0x3c: {  	p2 =	seq.s32 s10, $0x1;
	s10 =	sld [smem:$0x3FB4]  }
0x3d: {  	_ =	shalt  }
0x3e: {  	_ =	shalt  }
0x3f: {  	_ =	shalt  }
0x40: {  	_ =	shalt  }
0x41: {  	_ =	shalt  }
0x42: {  	_ =	shalt  }
0x43: {  	_ =	shalt  }
0x44: {  	_ =	shalt  }
0x45: {  	_ =	shalt  }
0x46: {  	_ =	shalt  }
0x47: {  	_ =	shalt  }
0x48: {  	_ =	shalt  }
0x49: {  	_ =	shalt  }
0x4a: {  	_ =	shalt  }
0x4b: {  	_ =	shalt  }
0x4c: {  	_ =	shalt  }
0x4d: {  	_ =	shalt  }
0x4e: {  	_ =	shalt  }
0x4f: {  	_ =	shalt  }
0x50: {  	_ =	shalt  }
0x51: {  	_ =	shalt  }
0x52: {  	_ =	shalt  }
0x53: {  	_ =	shalt  }
0x54: {  	_ =	shalt  }
0x55: {  	_ =	shalt  }
0x56: {  	_ =	shalt  }
0x57: {  	_ =	shalt  }
0x58: {  	_ =	shalt  }
0x59: {  	_ =	shalt  }
0x5a: {  	_ =	shalt  }
0x5b: {  	_ =	shalt  }
0x5c: {  	_ =	shalt  }
0x5d: {  	_ =	shalt  }
0x5e: {  	_ =	shalt  }
0x5f: {  	_ =	shalt  }
0x60: {  	_ =	shalt  }
0x61: {  	_ =	shalt  }
0x62: {  	_ =	shalt  }
0x63: {  	_ =	shalt  }
0x64: {  	_ =	shalt  }
0x65: {  	_ =	shalt  }
0x66: {  	_ =	shalt  }
0x67: {  	_ =	shalt  }
0x68: {  	_ =	shalt  }
0x69: {  	_ =	shalt  }
0x6a: {  	_ =	shalt  }
0x6b: {  	_ =	shalt  }
0x6c: {  	_ =	shalt  }
0x6d: {  	_ =	shalt  }
0x6e: {  	_ =	shalt  }
0x6f: {  	_ =	shalt  }
0x70: {  	_ =	shalt  }
0x71: {  	_ =	shalt  }
0x72: {  	_ =	shalt  }
0x73: {  	_ =	shalt  }
0x74: {  	_ =	shalt  }
0x75: {  	_ =	shalt  }
0x76: {  	_ =	shalt  }
0x77: {  	_ =	shalt  }
0x78: {  	_ =	shalt  }
0x79: {  	_ =	shalt  }
0x7a: {  	_ =	shalt  }
0x7b: {  	_ =	shalt  }
0x7c: {  	_ =	shalt  }
0x7d: {  	_ =	shalt  }
0x7e: {  	_ =	shalt  }
0x7f: {  	_ =	shalt  }
0x80: {  	_ =	shalt  }
0x81: {  	_ =	shalt  }
0x82: {  	_ =	shalt  }
0x83: {  	_ =	shalt  }
0x84: {  	_ =	shalt  }
0x85: {  	_ =	shalt  }
0x86: {  	_ =	shalt  }
0x87: {  	_ =	shalt  }
.Lfunc_end0:
.L_simem_size_0:
called_computation_lowered:
.L_overlay_start_0:
0x88: {  	s2 =	sld [smem:$0x3FD9]  }
0x89: {  	s3 =	sld [smem:$0x3FFE];
	_ =	sdelay $0x1  }
0x8a: {  	s1 =	srdreg.scid  }
0x8b: {  	s0 =	sand.u32 $0x1, s1  }
0x8c: {  	s17 =	sshll.u32 s0, $0xA;
	s2 =	sadd.s32 s3, s2  }
0x8d: {  	s2 =	sadd.s32 s2, s17  }
0x8e: {  	[smem:$0x3FC0] =	sst s2  }
0x8f: {  	_ = 	snop  }
0x90: {  	s2 =	sld [smem:$0x3FD0];
	(tm) =	ssettm $0x1  }
0x91: {  	s18 =	sld [smem:$0x3FFB];
	_ =	sdelay $0x3  }
0x92: {  	_ =	strace s18  }
0x93: {  	s3 =	sld [smem:$0x3FFC];
	_ =	sdelay $0x3  }
0x94: {  	_ =	strace s3  }
0x95: {  	s3 =	sld [smem:$0x3FFD];
	_ =	sdelay $0x3  }
0x96: {  	_ =	strace s3  }
0x97: {  	_ =	strace $0x8FFFFFFF  }
0x98: {  	s19 =	sld [smem:$0x3FDB];
	_ =	sdelay $0x1  }
0x99: {  	s4 =	simm.s32 $_scs_section_size  }
0x9a: {  	s5 =	simm.s32 $_size__tile_overlayer_lowered;
	s6 =	simm.s32 $_tile_overlayer_lowered  }
0x9b: {  	s22 =	simm.s32 $0x1BFF;
	s21 =	sshll.u32 s6, $0x1;
	s3 =	sadd.s32 s4, s19  }
0x9c: {  	s7 =	simm.s32 $0x0;
	s20 =	sshll.u32 s5, $0x1;
	s5 =	sadd.s32 s21, s3  }
0x9d: {  	[timem:s7], [sflag:s22] =	dma.local [hbm:s5], s20  }
0x9e: {  	_ =	swait.ge [sflag:s22], s20  }
0x9f: {  	s4 =	ssub.s32 $0x0, s20;
	[sflag:s22] =	ssyncset.done $0x0  }
0xa0: {  	[sflag:s22] =	ssyncadd.s32 s4;
	_ =	sdelay $0x1  }
0xa1: {  	s23 =	simm.s32 $0x1B8B  }
0xa2: {  	_ =	swait.ge [sflag:s23], $0x1  }
0xa3: {  	[sflag:s23] =	ssyncset.done $0x0  }
0xa4: {  	s25 =	simm.s32 $0x1B8E;
	s24 =	sld [smem:$0x3FFE];
	[sflag:s23] =	ssyncadd.s32 $0xFFFFFFFF  }
0xa5: {  	s26 =	simm.s32 $execute0_lowered;
	[smem:$0x3FD2] =	sst s25  }
0xa6: {  	s5 =	sshll.u32 s26, $0x1;
	_ =	strace $0x80000046;
	[dreg:$0x1] =	wrdreg $0xFFFFFFFF  }
0xa7: {  	s28 =	simm.s32 $_size_execute0_lowered;
	s3 =	sadd.s32 s3, s5;
	[dreg:$0x0] =	wrdreg $0x0  }
0xa8: {  	s5 =	sshll.u32 s28, $0x1;
	[dreg:$0x2] =	wrdreg s3  }
0xa9: {  	[dreg:$0x3] =	wrdreg s5  }
0xaa: {  	[dreg:$0x4] =	wrdreg $0xC0  }
0xab: {  	_ =	task [dreg:s7], $0x5FFFF  }
0xac: {  	[dreg:$0x1] =	wrdreg $0xFFFFFFFF  }
0xad: {  	[dreg:$0x0] =	wrdreg $0x60  }
0xae: {  	[dreg:$0x2] =	wrdreg s2  }
0xaf: {  	[dreg:$0x3] =	wrdreg s24  }
0xb0: {  	[dreg:$0x4] =	wrdreg $0x9  }
0xb1: {  	_ =	task.clear_ibuf [dreg:s7], $0x5FFFF;
	_ =	strace $0x90000046  }
0xb2: {  	s29 =	simm.s32 $0x9;
	_ =	strace $0x80000048  }
0xb3: {  	_ =	swait.ge [sflag:s29], $0x1  }
0xb4: {  	[sflag:s29] =	ssyncadd.s32 $0xFFFFFFFF  }
0xb5: {  	_ =	strace $0x90000048  }
0xb6: {  	_ =	sfence  }
0xb7: {  	s30 =	sld [smem:$0x0];
	_ =	sdelay $0x2  }
0xb8: {  	s31 =	sshll.u32 s1, $0xD;
	s1 =	sshrl.u32 s1, $0x2  }
0xb9: {  	s3 =	sand.u32 $0x4000, s31;
	s1 =	sadd.s32 s1, s30  }
0xba: {  	s0 =	sor.u32 s3, s0;
	s1 =	sshll.u32 s1, $0x11  }
0xbb: {  	s0 =	sor.u32 s1, s0  }
0xbc: {  	s0 =	sadd.s32 $0x8F2B, s0  }
0xbd: {  	[sflag:s0] =	ssyncadd.remote.s32 $0x1  }
0xbe: {  	_ =	sfence.sel $0xFFFF  }
0xbf: {  	[dreg:$0x0] =	wrdreg $0xFFFFFFFF;
	(pc) =	sbr.abs _section_cstart, $3  }
0xc0: {  	[dreg:$0x1] =	wrdreg $0xFFFFFFFF  }
0xc1: {  	_ =	task.clear_ibuf [dreg:s7], $0x2FFFF;
	_ =	strace $0x9FFFFFFF  }
0xc2: {  	(tm) =	ssettm $0x7FFFFFFF  }
0xc3: {  	_ =	shalt  }
tec
execute0_lowered:
.L_overlay_start_1:
0x0: {  	(tag) =	ssettag $0x1  }
0x1: {  	s3 =	rddreg [dreg:$0x0]  }
0x2: {  	s12 =	rddreg [dreg:$0x1];
	s1 =	srdreg.scid  }
0x3: {  	s0 =	rddreg [dreg:$0x2];
	s17 =	sand.u32 $0x1, s1  }
0x4: {  	s2 =	simm.s32 $0x0;
	s1 =	stileid.u32;
	s4 =	sshll.u32 s17, $0x6  }
0x5: {  	[smem:$0x7FF] =	sst s2;
	s5 =	sshll.u32 s1, $0x7;
	s3 =	sadd.s32 s3, s4  }
0x6: {  	_ =	strace $0x80000047;
	s4 =	simm.s32 $0x3;
	s3 =	sadd.s32 s5, s3  }
0x7: {  	[tilespmem:s2], [sflag:$0x3] =	stream.linear.gather [hbm4b:s3+s2], $0x200, $0x38;
	[tilespmem:$0xC200] =	vst v63  }
0x8: {  	_ =	swait.ge [sflag:s4], $0x200  }
0x9: {  	s6 =	simm.s32 $0x80;
	[sflag:s4] =	ssyncset.done $0x0  }
0xa: {  	s7 =	simm.s32 $0x200;
	s5 =	sadd.s32 $0x1800, s12;
	[sflag:s4] =	ssyncadd.s32 $0xFFFFFE00  }
0xb: {  	[tilespmem:s7], [sflag:$0x1] =	stream.indirect.gather [hbm4b:s5+s6], $0x80, s2, s6, $0xb8;
	[tilespmem:$0xC200] =	vst v63  }
0xc: {  	s8 =	simm.s32 $0x4200;
	s9 =	simm.s32 $0x100;
	s10 =	simm.s32 $0x8200  }
0xd: {  	[tilespmem:s8], [sflag:$0x1] =	stream.indirect.gather [hbm4b:s5+s6], $0x80, s6, s6, $0xb8;
	[tilespmem:$0xC200] =	vst v63  }
0xe: {  	s11 =	simm.s32 $0x1;
	s13 =	sshll.u32 s1, $0xE;
	s14 =	sshll.u32 s17, $0xD  }
0xf: {  	[tilespmem:s10], [sflag:$0x1] =	stream.indirect.gather [hbm4b:s5+s6], $0x80, s9, s6, $0xb8;
	[tilespmem:$0xC200] =	vst v63  }
0x10: {  	s13 =	sor.u32 s14, s13;
	_ =	swait.ge [sflag:s11], $0x4000  }
0x11: {  	s18 =	sadd.s32 s13, s12;
	[sflag:s11] =	ssyncset.done $0x0  }
0x12: {  	s12 =	simm.s32 $0x2;
	s13 =	sadd.s32 $0x3E1800, s18;
	[sflag:s11] =	ssyncadd.s32 $0xFFFFC000  }
0x13: {  	[hbm4b:s13+s2] =	stream.linear.scatter [tilespmem:s7], [sflag:$0x2], $0x4000, $0x38;
	[tilespmem:$0xC200] =	vst v63  }
0x14: {  	_ =	swait.ge [sflag:s12], $0x4000  }
0x15: {  	[sflag:s12] =	ssyncset.done $0x0  }
0x16: {  	s14 =	simm.s32 $0x180;
	[sflag:s12] =	ssyncadd.s32 $0xFFFFC000  }
0x17: {  	[tilespmem:s7], [sflag:$0x1] =	stream.indirect.gather [hbm4b:s5+s6], $0x80, s14, s6, $0xb8;
	[tilespmem:$0xC200] =	vst v63  }
0x18: {  	_ =	swait.ge [sflag:s11], $0x4000  }
0x19: {  	[sflag:s11] =	ssyncset.done $0x0  }
0x1a: {  	s15 =	sadd.s32 $0x3E2000, s18;
	[sflag:s11] =	ssyncadd.s32 $0xFFFFC000  }
0x1b: {  	[hbm4b:s15+s2] =	stream.linear.scatter [tilespmem:s8], [sflag:$0x2], $0x4000, $0x38;
	[tilespmem:$0xC200] =	vst v63  }
0x1c: {  	_ =	swait.ge [sflag:s11], $0x4000  }
0x1d: {  	s19 =	ssub.s32 $0x2, s17;
	[sflag:s11] =	ssyncset.done $0x0  }
0x1e: {  	s31 =	sshrl.u32 s19, $0x1;
	s16 =	sadd.s32 $0x3E2800, s18;
	[sflag:s11] =	ssyncadd.s32 $0xFFFFC000  }
0x1f: {  	[hbm4b:s16+s2] =	stream.linear.scatter [tilespmem:s10], [sflag:$0x2], $0x4000, $0x38;
	[tilespmem:$0xC200] =	vst v63  }
0x20: {  	s17 =	sadd.s32 $0x3E3000, s18;
	s18 =	ssub.s32 s19, s31;
	_ =	swait.ge [sflag:s11], $0x4000  }
0x21: {  	s18 =	smax.u32 s18, $0x1;
	[sflag:s11] =	ssyncset.done $0x0  }
0x22: {  	p0 =	sne.s32 s18, $0x1;
	[sflag:s11] =	ssyncadd.s32 $0xFFFFC000  }
0x23: {  	[hbm4b:s17+s2] =	stream.linear.scatter [tilespmem:s7], [sflag:$0x2], $0x4000, $0x38;
	[tilespmem:$0xC200] =	vst v63  }
.Ltmp0:
0x24: {  	_ =	swait.ge [sflag:s12], $0x4000;
	(pc) =	sbr.rel @!p0 .LBB2_2-.Ltmp0, $4  }
0x25: {  	[sflag:s12] =	ssyncset.done $0x0  }
0x26: {  	[sflag:s12] =	ssyncadd.s32 $0xFFFFC000  }
0x27: {  	_ =	swait.ge [sflag:s12], $0x4000  }
0x28: {  	s18 =	sadd.s32 $0xFFFFFFFF, s18;
	[sflag:s12] =	ssyncset.done $0x0  }
.LBB2_1:
0x29: {  	p0 =	sne.s32 s18, $0x1;
	s18 =	sadd.s32 $0xFFFFFFFF, s18;
	[sflag:s12] =	ssyncadd.s32 $0xFFFFC000  }
0x2a: {  	[tilespmem:s2], [sflag:$0x3] =	stream.linear.gather [hbm4b:s3+s2], $0x200, $0x38;
	[tilespmem:$0xC200] =	vst v63  }
0x2b: {  	_ =	swait.ge [sflag:s4], $0x200  }
0x2c: {  	[sflag:s4] =	ssyncset.done $0x0  }
0x2d: {  	[sflag:s4] =	ssyncadd.s32 $0xFFFFFE00  }
0x2e: {  	[tilespmem:s7], [sflag:$0x1] =	stream.indirect.gather [hbm4b:s5+s6], $0x80, s2, s6, $0xb8;
	[tilespmem:$0xC200] =	vst v63  }
0x2f: {  	_ = 	snop  }
0x30: {  	[tilespmem:s8], [sflag:$0x1] =	stream.indirect.gather [hbm4b:s5+s6], $0x80, s6, s6, $0xb8;
	[tilespmem:$0xC200] =	vst v63  }
0x31: {  	_ = 	snop  }
0x32: {  	[tilespmem:s10], [sflag:$0x1] =	stream.indirect.gather [hbm4b:s5+s6], $0x80, s9, s6, $0xb8;
	[tilespmem:$0xC200] =	vst v63  }
0x33: {  	_ =	swait.ge [sflag:s11], $0x4000  }
0x34: {  	[sflag:s11] =	ssyncset.done $0x0  }
0x35: {  	[sflag:s11] =	ssyncadd.s32 $0xFFFFC000  }
0x36: {  	[hbm4b:s13+s2] =	stream.linear.scatter [tilespmem:s7], [sflag:$0x2], $0x4000, $0x38;
	[tilespmem:$0xC200] =	vst v63  }
0x37: {  	_ =	swait.ge [sflag:s12], $0x4000  }
0x38: {  	[sflag:s12] =	ssyncset.done $0x0  }
0x39: {  	[sflag:s12] =	ssyncadd.s32 $0xFFFFC000  }
0x3a: {  	[tilespmem:s7], [sflag:$0x1] =	stream.indirect.gather [hbm4b:s5+s6], $0x80, s14, s6, $0xb8;
	[tilespmem:$0xC200] =	vst v63  }
0x3b: {  	_ =	swait.ge [sflag:s11], $0x4000  }
0x3c: {  	[sflag:s11] =	ssyncset.done $0x0  }
0x3d: {  	[sflag:s11] =	ssyncadd.s32 $0xFFFFC000  }
0x3e: {  	[hbm4b:s15+s2] =	stream.linear.scatter [tilespmem:s8], [sflag:$0x2], $0x4000, $0x38;
	[tilespmem:$0xC200] =	vst v63  }
0x3f: {  	_ =	swait.ge [sflag:s11], $0x4000  }
0x40: {  	[sflag:s11] =	ssyncset.done $0x0  }
0x41: {  	[sflag:s11] =	ssyncadd.s32 $0xFFFFC000  }
0x42: {  	[hbm4b:s16+s2] =	stream.linear.scatter [tilespmem:s10], [sflag:$0x2], $0x4000, $0x38;
	[tilespmem:$0xC200] =	vst v63  }
0x43: {  	_ =	swait.ge [sflag:s11], $0x4000  }
0x44: {  	[sflag:s11] =	ssyncset.done $0x0  }
0x45: {  	[sflag:s11] =	ssyncadd.s32 $0xFFFFC000  }
0x46: {  	[hbm4b:s17+s2] =	stream.linear.scatter [tilespmem:s7], [sflag:$0x2], $0x4000, $0x38;
	[tilespmem:$0xC200] =	vst v63  }
.Ltmp1:
0x47: {  	_ =	swait.ge [sflag:s12], $0x4000;
	(pc) =	sbr.rel @p0 .LBB2_1-.Ltmp1, $4  }
0x48: {  	[sflag:s12] =	ssyncset.done $0x0  }
0x49: {  	[sflag:s12] =	ssyncadd.s32 $0xFFFFC000  }
0x4a: {  	_ =	swait.ge [sflag:s12], $0x4000  }
0x4b: {  	[sflag:s12] =	ssyncset.done $0x0  }
.LBB2_2:
0x4c: {  	[sflag:s12] =	ssyncadd.s32 $0xFFFFC000  }
0x4d: {  	_ =	sfence.sel $0x180000  }
0x4e: {  	[bflag:$0x0] =	sbarrier.arrive $0xFFFF  }
0x4f: {  	p0 =	sne.s32 s1, $0x0;
	_ =	strace $0x90000047  }
0x50: {  	s0 =	sadd.s32 @!p0 $0x100000, s0;
	[bflag:$0x2] =	sbarrier.arrive $0xFFFF  }
0x51: {  	[sflag:s0] =	ssyncadd.tile.s32 @!p0 $0x1;
	_ =	shalt  }
.Lfunc_end2:
_tile_overlayer_lowered:
.L_overlay_start_2:
0x52: {  	(tag) =	ssettag $0x2  }
0x53: {  	s0 =	rddreg [dreg:$0x0];
	s2 =	stileid.u32  }
0x54: {  	s1 =	rddreg [dreg:$0x1];
	p0 =	sne.s32 s2, $0x0  }
0x55: {  	s3 =	rddreg [dreg:$0x2];
	[bflag:$0x3] =	sbarrier.arrive $0xFFFF;
	s2 =	simm.s32 @!p0 $0x1C03  }
0x56: {  	[timem:s3], [sflag:s2] =	dma.local @!p0 [hbm:s0], s1  }
0x57: {  	s0 =	simm.s32 @!p0 $0x3  }
0x58: {  	_ =	swait.ge @!p0 [sflag:s0], s1  }
0x59: {  	s1 =	ssub.s32 @!p0 $0x0, s1;
	[sflag:s0] =	ssyncset.done @!p0 $0x0  }
0x5a: {  	[sflag:s0] =	ssyncadd.s32 @!p0 s1  }
0x5b: {  	[bflag:$0x3] =	sbarrier.arrive $0xFFFF  }
0x5c: {  	_ =	shalt  }

</sc_bundles>
